<compile_context>
chip_gen: v7x
topology: tpu7x:2x2x1
jax: 0.10.2.dev20260603
libtpu: 0.0.44.dev20260713+nightly
codegen_flags: <defaults>
</compile_context>

<pallas_src>
import functools

import jax
import jax.numpy as jnp
from jax import lax
from jax.experimental import pallas as pl
from jax.experimental.pallas import tpu as pltpu
from jax.experimental.pallas import tpu_sc as plsc

_N = 10000
_E = 160000
_D = 256
_DH = 128

_NSUB = 16
_CHUNK = 128
_NCHUNK = 80
_EPT = _NCHUNK * _CHUNK
_EPAD = _EPT * _NSUB
_NBUF = 2
_DGRP = 8
_AGG_ROWS = 10112
_ZROWS = _AGG_ROWS // _NSUB
_OROWS = 624


def _sc_aggregate(xh, srcs, dst3, zrows):
  mesh = plsc.VectorSubcoreMesh(core_axis_name="c", subcore_axis_name="s")

  @functools.partial(
      pl.kernel,
      out_type=jax.ShapeDtypeStruct((2, _N, _DH), jnp.float32),
      mesh=mesh,
      scratch_types=[
          pltpu.VMEM((_NCHUNK, _CHUNK), jnp.int32),
          pltpu.VMEM((_DGRP, _CHUNK), jnp.int32),
          [pltpu.VMEM((_CHUNK, _DH), jnp.float32) for _ in range(_NBUF)],
          [pltpu.SemaphoreType.DMA for _ in range(_NBUF)],
          pltpu.VMEM_SHARED((_AGG_ROWS, _DH), jnp.float32),
      ],
  )
  def k(xh_hbm, srcs_hbm, dst_hbm, z_hbm, out_hbm, src_all, dst8, bufs,
        gsems, agg):
    c = lax.axis_index("c")
    s = lax.axis_index("s")

    pltpu.sync_copy(z_hbm, agg.at[pl.ds(s * _ZROWS, _ZROWS)])
    pltpu.sync_copy(srcs_hbm.at[c, s], src_all)
    plsc.subcore_barrier()

    def start_gather(t, b):
      pltpu.async_copy(xh_hbm.at[src_all.at[t]], bufs[b], gsems[b])

    def wait_gather(b):
      pltpu.make_async_copy(xh_hbm.at[src_all.at[0]], bufs[b],
                            gsems[b]).wait()

    for b in range(_NBUF):
      start_gather(b, b)

    def group(g, static_tail):
      pltpu.sync_copy(dst_hbm.at[s, pl.ds(g * _DGRP, _DGRP)], dst8)
      for q in range(_DGRP):
        t = g * _DGRP + q
        b = q % _NBUF
        wait_gather(b)
        pltpu.sync_copy(bufs[b], agg.at[dst8.at[q]], add=True)
        if static_tail:
          if q < _DGRP - _NBUF:
            start_gather(t + _NBUF, b)
        else:
          start_gather(t + _NBUF, b)

    def body(g, _):
      group(g, False)
      return ()

    lax.fori_loop(0, _NCHUNK // _DGRP - 1, body, ())
    group(_NCHUNK // _DGRP - 1, True)

    plsc.subcore_barrier()

    pltpu.sync_copy(agg.at[pl.ds(s * _OROWS, _OROWS)],
                    out_hbm.at[c, pl.ds(s * _OROWS, _OROWS)])

    @pl.when(s == _NSUB - 1)
    def _epilogue():
      tail = _NSUB * _OROWS
      pltpu.sync_copy(agg.at[pl.ds(tail, _N - tail)],
                      out_hbm.at[c, pl.ds(tail, _N - tail)])

  return k(xh, srcs, dst3, zrows)


def _tc_linear_body(a0_ref, a1_ref, w0_ref, w1_ref, b_ref, o_ref):
  dn = (((1,), (1,)), ((), ()))
  acc = lax.dot_general(a0_ref[0], w0_ref[...], dn,
                        preferred_element_type=jnp.float32)
  acc += lax.dot_general(a1_ref[0], w1_ref[...], dn,
                         preferred_element_type=jnp.float32)
  o_ref[...] = jnp.maximum(acc + b_ref[...], 0.0)


def _tc_linear(agg2, w0, w1, b2):
  rows = 1000
  grid = _N // rows
  return pl.pallas_call(
      _tc_linear_body,
      grid=(grid,),
      in_specs=[
          pl.BlockSpec((1, rows, _DH), lambda i: (0, i, 0)),
          pl.BlockSpec((1, rows, _DH), lambda i: (1, i, 0)),
          pl.BlockSpec((_D, _DH), lambda i: (0, 0)),
          pl.BlockSpec((_D, _DH), lambda i: (0, 0)),
          pl.BlockSpec((1, _D), lambda i: (0, 0)),
      ],
      out_specs=pl.BlockSpec((rows, _D), lambda i: (i, 0)),
      out_shape=jax.ShapeDtypeStruct((_N, _D), jnp.float32),
  )(agg2, agg2, w0, w1, b2)


def kernel(x, edge_index, W, b):
  src = edge_index[0].astype(jnp.int32)
  dst = edge_index[1].astype(jnp.int32)
  pad = _EPAD - _E
  srcp = jnp.concatenate([src, jnp.zeros((pad,), jnp.int32)])
  dstp = jnp.concatenate([dst, jnp.full((pad,), _N, jnp.int32)])
  srcs = jnp.concatenate([srcp, srcp + _N]).reshape(
      2, _NSUB, _NCHUNK, _CHUNK)
  dst3 = dstp.reshape(_NSUB, _NCHUNK, _CHUNK)
  xh = jnp.concatenate([x[:, :_DH], x[:, _DH:]], axis=0)
  zrows = jnp.zeros((_ZROWS, _DH), jnp.float32)

  agg2 = _sc_aggregate(xh, srcs, dst3, zrows)

  w0 = W[:, :_DH]
  w1 = W[:, _DH:]
  b2 = b.reshape(1, _D)
  return _tc_linear(agg2, w0, w1, b2)

# --- scband reference (transcript-rebuilt; emitter-appended) ---
"""Pipeline reference for scband-gcn-11424613007819 (READ-ONLY COPY).

The authoritative reference and input builder live on the scoring server;
editing this copy changes nothing except your own understanding.
"""

import jax, jax.numpy as jnp
import numpy as np

N = 10000
E = 160000
D_IN = 256
D_OUT = 256


def setup_inputs(seed: int = 0) -> dict:
    key = jax.random.key(seed)
    k1, k2, k3, k4 = jax.random.split(key, 4)
    x = jax.random.normal(k1, (N, D_IN), dtype=jnp.float32)
    edge_index = jax.random.randint(k2, (2, E), 0, N, dtype=jnp.int64)
    # linear layer params (nn.Linear(in_feats, out_feats)): W [out, in], b [out]
    W = jax.random.normal(k3, (D_OUT, D_IN), dtype=jnp.float32) * (1.0 / np.sqrt(D_IN))
    b = jnp.zeros((D_OUT,), dtype=jnp.float32)
    return {"x": x, "edge_index": edge_index, "W": W, "b": b}


def reference(x, edge_index, W, b):
    # GCN message passing: copy_src -> sum reduce (dropout p=0.0 is identity in eval)
    src = edge_index[0]
    dst = edge_index[1]
    msgs = jnp.take(x, src, axis=0)                  # gather source features [E, D_IN]
    agg = jnp.zeros((N, D_IN), dtype=x.dtype).at[dst].add(msgs)  # scatter-add to dst
    # NodeApplyModule: linear + activation (relu)
    h = agg @ W.T + b
    h = jax.nn.relu(h)
    return h

if __name__ == "__main__":
    import jax
    _d = setup_inputs()
    print(jax.jit(kernel)(*tuple(_d.values())))

</pallas_src>

<mosaic_0001>
#map = affine_map<(d0, d1) -> (0, 0)>
#map1 = affine_map<(d0, d1) -> (0, 0, 0, 0)>
#map2 = affine_map<(d0, d1) -> (0, 0, 0)>
module attributes {stable_mosaic.version = 14 : i64} {
  func.func @k(%arg0: i32, %arg1: i32, %arg2: memref<20000x128xf32, #tpu.memory_space<hbm>>, %arg3: memref<2x16x80x128xi32, #tpu.memory_space<hbm>>, %arg4: memref<16x80x128xi32, #tpu.memory_space<hbm>>, %arg5: memref<632x128xf32, #tpu.memory_space<hbm>>, %arg6: memref<2x10000x128xf32, #tpu.memory_space<hbm>>, %arg7: memref<80x128xi32, #tpu.memory_space<vmem>>, %arg8: memref<8x128xi32, #tpu.memory_space<vmem>>, %arg9: memref<128x128xf32, #tpu.memory_space<vmem>>, %arg10: memref<128x128xf32, #tpu.memory_space<vmem>>, %arg11: memref<!tpu.dma_semaphore, #tpu.memory_space<semaphore_mem>>, %arg12: memref<!tpu.dma_semaphore, #tpu.memory_space<semaphore_mem>>, %arg13: memref<10112x128xf32, #tpu.memory_space<vmem_shared>>) attributes {dimension_semantics = [#tpu.dimension_semantics<core_parallel>, #tpu.dimension_semantics<subcore_parallel>], iteration_bounds = array<i64: 2, 16>, scalar_prefetch = 0 : i64, scratch_operands = 7 : i64, tpu.core_type = #tpu.core_type<sc_vector_subcore>, window_params = [{transform_indices = #map}, {transform_indices = #map1}, {transform_indices = #map2}, {transform_indices = #map}, {transform_indices = #map2}]} {
    %mul3A = arith.constant 632 : i32
    %mul3A_0 = arith.muli %arg1, %mul3A : i32
    "tpu.region"() ({
      %run_scoped3A_129 = tpu.sem_alloc : memref<!tpu.dma_semaphore, #tpu.memory_space<semaphore_mem>>
      %dma_start3A_130 = arith.constant 0 : i32
      %dma_start3A_131 = tpu.memref_slice %arg13[%mul3A_0, %dma_start3A_130] : memref<10112x128xf32, #tpu.memory_space<vmem_shared>> -> memref<632x128xf32, #tpu.memory_space<vmem_shared>>
      tpu.enqueue_dma source(%arg5 : memref<632x128xf32, #tpu.memory_space<hbm>>) target(%dma_start3A_131 : memref<632x128xf32, #tpu.memory_space<vmem_shared>>) target_semaphore(%run_scoped3A_129 : memref<!tpu.dma_semaphore, #tpu.memory_space<semaphore_mem>>)
      %dma_wait3A_132 = arith.constant 0 : i32
      %dma_wait3A_133 = tpu.memref_slice %arg13[%mul3A_0, %dma_wait3A_132] : memref<10112x128xf32, #tpu.memory_space<vmem_shared>> -> memref<632x128xf32, #tpu.memory_space<vmem_shared>>
      tpu.wait_dma2 semaphore(%run_scoped3A_129 : memref<!tpu.dma_semaphore, #tpu.memory_space<semaphore_mem>>) src(%arg5 : memref<632x128xf32, #tpu.memory_space<hbm>>) dst(%dma_wait3A_133 : memref<632x128xf32, #tpu.memory_space<vmem_shared>>)
      tpu.yield
    }) : () -> ()
    "tpu.region"() ({
      %run_scoped3A_129 = tpu.sem_alloc : memref<!tpu.dma_semaphore, #tpu.memory_space<semaphore_mem>>
      %dma_start3A_130 = arith.constant 0 : i32
      %dma_start3A_131 = arith.constant 0 : i32
      %dma_start3A_132 = tpu.memref_slice %arg3[%arg0, %arg1, %dma_start3A_130, %dma_start3A_131] : memref<2x16x80x128xi32, #tpu.memory_space<hbm>> -> memref<1x1x80x128xi32, #tpu.memory_space<hbm>>
      %dma_start3A_133 = tpu.memref_squeeze %dma_start3A_132 : memref<1x1x80x128xi32, #tpu.memory_space<hbm>> -> memref<80x128xi32, #tpu.memory_space<hbm>>
      %dma_start3A_134 = arith.constant 0 : i32
      %dma_start3A_135 = arith.constant 0 : i32
      %dma_start3A_136 = tpu.memref_slice %arg3[%arg0, %arg1, %dma_start3A_134, %dma_start3A_135] : memref<2x16x80x128xi32, #tpu.memory_space<hbm>> -> memref<1x1x80x128xi32, #tpu.memory_space<hbm>>
      %dma_start3A_137 = tpu.memref_squeeze %dma_start3A_136 : memref<1x1x80x128xi32, #tpu.memory_space<hbm>> -> memref<80x128xi32, #tpu.memory_space<hbm>>
      tpu.enqueue_dma source(%dma_start3A_137 : memref<80x128xi32, #tpu.memory_space<hbm>>) target(%arg7 : memref<80x128xi32, #tpu.memory_space<vmem>>) target_semaphore(%run_scoped3A_129 : memref<!tpu.dma_semaphore, #tpu.memory_space<semaphore_mem>>)
      %dma_wait3A_138 = arith.constant 0 : i32
      %dma_wait3A_139 = arith.constant 0 : i32
      %dma_wait3A_140 = tpu.memref_slice %arg3[%arg0, %arg1, %dma_wait3A_138, %dma_wait3A_139] : memref<2x16x80x128xi32, #tpu.memory_space<hbm>> -> memref<1x1x80x128xi32, #tpu.memory_space<hbm>>
      %dma_wait3A_141 = tpu.memref_squeeze %dma_wait3A_140 : memref<1x1x80x128xi32, #tpu.memory_space<hbm>> -> memref<80x128xi32, #tpu.memory_space<hbm>>
      %dma_wait3A_142 = arith.constant 0 : i32
      %dma_wait3A_143 = arith.constant 0 : i32
      %dma_wait3A_144 = tpu.memref_slice %arg3[%arg0, %arg1, %dma_wait3A_142, %dma_wait3A_143] : memref<2x16x80x128xi32, #tpu.memory_space<hbm>> -> memref<1x1x80x128xi32, #tpu.memory_space<hbm>>
      %dma_wait3A_145 = tpu.memref_squeeze %dma_wait3A_144 : memref<1x1x80x128xi32, #tpu.memory_space<hbm>> -> memref<80x128xi32, #tpu.memory_space<hbm>>
      tpu.wait_dma2 semaphore(%run_scoped3A_129 : memref<!tpu.dma_semaphore, #tpu.memory_space<semaphore_mem>>) src(%dma_wait3A_145 : memref<80x128xi32, #tpu.memory_space<hbm>>) dst(%arg7 : memref<80x128xi32, #tpu.memory_space<vmem>>)
      tpu.yield
    }) : () -> ()
    %barrier3A = arith.constant 0 : index
    tpu.barrier barrier_id(%barrier3A)
    %dma_start3A = arith.constant 0 : i32
    %dma_start3A_1 = arith.constant 0 : i32
    %dma_start3A_2 = tpu.memref_slice %arg7[%dma_start3A, %dma_start3A_1] : memref<80x128xi32, #tpu.memory_space<vmem>> -> memref<1x128xi32, #tpu.memory_space<vmem>>
    %dma_start3A_3 = tpu.memref_squeeze %dma_start3A_2 : memref<1x128xi32, #tpu.memory_space<vmem>> -> memref<128xi32, #tpu.memory_space<vmem>>
    %dma_start3A_4 = arith.constant 0 : i32
    %dma_start3A_5 = arith.constant 0 : i32
    %dma_start3A_6 = tpu.memref_slice %arg2[%dma_start3A_4, %dma_start3A_5] : memref<20000x128xf32, #tpu.memory_space<hbm>> -> memref<20000x128xf32, #tpu.memory_space<hbm>>
    tpu.enqueue_indirect_dma source(%dma_start3A_6 : memref<20000x128xf32, #tpu.memory_space<hbm>>) target(%arg9 : memref<128x128xf32, #tpu.memory_space<vmem>>) offsets(%dma_start3A_3 : memref<128xi32, #tpu.memory_space<vmem>>) semaphore(%arg11 : memref<!tpu.dma_semaphore, #tpu.memory_space<semaphore_mem>>)
    %dma_start3A_7 = arith.constant 1 : i32
    %dma_start3A_8 = arith.constant 0 : i32
    %dma_start3A_9 = tpu.memref_slice %arg7[%dma_start3A_7, %dma_start3A_8] : memref<80x128xi32, #tpu.memory_space<vmem>> -> memref<1x128xi32, #tpu.memory_space<vmem>>
    %dma_start3A_10 = tpu.memref_squeeze %dma_start3A_9 : memref<1x128xi32, #tpu.memory_space<vmem>> -> memref<128xi32, #tpu.memory_space<vmem>>
    %dma_start3A_11 = arith.constant 0 : i32
    %dma_start3A_12 = arith.constant 0 : i32
    %dma_start3A_13 = tpu.memref_slice %arg2[%dma_start3A_11, %dma_start3A_12] : memref<20000x128xf32, #tpu.memory_space<hbm>> -> memref<20000x128xf32, #tpu.memory_space<hbm>>
    tpu.enqueue_indirect_dma source(%dma_start3A_13 : memref<20000x128xf32, #tpu.memory_space<hbm>>) target(%arg10 : memref<128x128xf32, #tpu.memory_space<vmem>>) offsets(%dma_start3A_10 : memref<128xi32, #tpu.memory_space<vmem>>) semaphore(%arg12 : memref<!tpu.dma_semaphore, #tpu.memory_space<semaphore_mem>>)
    %scan3A = arith.constant 0 : i32
    %scan3A_14 = arith.constant 9 : i32
    %scan3A_15 = arith.addi %scan3A, %scan3A_14 : i32
    %scan3A_16 = arith.constant 1 : i32
    scf.for %scan3A_129 = %scan3A to %scan3A_15 step %scan3A_16  : i32 {
      %mul3A_130 = arith.constant 8 : i32
      %mul3A_131 = arith.muli %scan3A_129, %mul3A_130 : i32
      "tpu.region"() ({
        %run_scoped3A_291 = tpu.sem_alloc : memref<!tpu.dma_semaphore, #tpu.memory_space<semaphore_mem>>
        %dma_start3A_292 = arith.constant 0 : i32
        %dma_start3A_293 = tpu.memref_slice %arg4[%arg1, %mul3A_131, %dma_start3A_292] : memref<16x80x128xi32, #tpu.memory_space<hbm>> -> memref<1x8x128xi32, #tpu.memory_space<hbm>>
        %dma_start3A_294 = tpu.memref_squeeze %dma_start3A_293 : memref<1x8x128xi32, #tpu.memory_space<hbm>> -> memref<8x128xi32, #tpu.memory_space<hbm>>
        %dma_start3A_295 = arith.constant 0 : i32
        %dma_start3A_296 = tpu.memref_slice %arg4[%arg1, %mul3A_131, %dma_start3A_295] : memref<16x80x128xi32, #tpu.memory_space<hbm>> -> memref<1x8x128xi32, #tpu.memory_space<hbm>>
        %dma_start3A_297 = tpu.memref_squeeze %dma_start3A_296 : memref<1x8x128xi32, #tpu.memory_space<hbm>> -> memref<8x128xi32, #tpu.memory_space<hbm>>
        tpu.enqueue_dma source(%dma_start3A_297 : memref<8x128xi32, #tpu.memory_space<hbm>>) target(%arg8 : memref<8x128xi32, #tpu.memory_space<vmem>>) target_semaphore(%run_scoped3A_291 : memref<!tpu.dma_semaphore, #tpu.memory_space<semaphore_mem>>)
        %dma_wait3A_298 = arith.constant 0 : i32
        %dma_wait3A_299 = tpu.memref_slice %arg4[%arg1, %mul3A_131, %dma_wait3A_298] : memref<16x80x128xi32, #tpu.memory_space<hbm>> -> memref<1x8x128xi32, #tpu.memory_space<hbm>>
        %dma_wait3A_300 = tpu.memref_squeeze %dma_wait3A_299 : memref<1x8x128xi32, #tpu.memory_space<hbm>> -> memref<8x128xi32, #tpu.memory_space<hbm>>
        %dma_wait3A_301 = arith.constant 0 : i32
        %dma_wait3A_302 = tpu.memref_slice %arg4[%arg1, %mul3A_131, %dma_wait3A_301] : memref<16x80x128xi32, #tpu.memory_space<hbm>> -> memref<1x8x128xi32, #tpu.memory_space<hbm>>
        %dma_wait3A_303 = tpu.memref_squeeze %dma_wait3A_302 : memref<1x8x128xi32, #tpu.memory_space<hbm>> -> memref<8x128xi32, #tpu.memory_space<hbm>>
        tpu.wait_dma2 semaphore(%run_scoped3A_291 : memref<!tpu.dma_semaphore, #tpu.memory_space<semaphore_mem>>) src(%dma_wait3A_303 : memref<8x128xi32, #tpu.memory_space<hbm>>) dst(%arg8 : memref<8x128xi32, #tpu.memory_space<vmem>>)
        tpu.yield
      }) : () -> ()
      %mul3A_132 = arith.constant 8 : i32
      %mul3A_133 = arith.muli %scan3A_129, %mul3A_132 : i32
      %add3A = arith.constant 0 : i32
      %add3A_134 = arith.addi %mul3A_133, %add3A : i32
      %dma_wait3A_135 = arith.constant 0 : i32
      %dma_wait3A_136 = arith.constant 0 : i32
      %dma_wait3A_137 = tpu.memref_slice %arg7[%dma_wait3A_135, %dma_wait3A_136] : memref<80x128xi32, #tpu.memory_space<vmem>> -> memref<1x128xi32, #tpu.memory_space<vmem>>
      %dma_wait3A_138 = tpu.memref_squeeze %dma_wait3A_137 : memref<1x128xi32, #tpu.memory_space<vmem>> -> memref<128xi32, #tpu.memory_space<vmem>>
      %dma_wait3A_139 = arith.constant 0 : i32
      %dma_wait3A_140 = arith.constant 0 : i32
      %dma_wait3A_141 = tpu.memref_slice %arg2[%dma_wait3A_139, %dma_wait3A_140] : memref<20000x128xf32, #tpu.memory_space<hbm>> -> memref<20000x128xf32, #tpu.memory_space<hbm>>
      tpu.wait_indirect_dma semaphore(%arg11 : memref<!tpu.dma_semaphore, #tpu.memory_space<semaphore_mem>>) src(%dma_wait3A_141 : memref<20000x128xf32, #tpu.memory_space<hbm>>) dst(%arg9 : memref<128x128xf32, #tpu.memory_space<vmem>>)
      %run_scoped3A_142 = arith.constant 0 : i32
      "tpu.region"() ({
        %run_scoped3A_291 = tpu.sem_alloc : memref<!tpu.dma_semaphore, #tpu.memory_space<semaphore_mem>>
        %dma_start3A_292 = arith.constant 0 : i32
        %dma_start3A_293 = tpu.memref_slice %arg8[%run_scoped3A_142, %dma_start3A_292] : memref<8x128xi32, #tpu.memory_space<vmem>> -> memref<1x128xi32, #tpu.memory_space<vmem>>
        %dma_start3A_294 = tpu.memref_squeeze %dma_start3A_293 : memref<1x128xi32, #tpu.memory_space<vmem>> -> memref<128xi32, #tpu.memory_space<vmem>>
        %dma_start3A_295 = arith.constant 0 : i32
        %dma_start3A_296 = arith.constant 0 : i32
        %dma_start3A_297 = tpu.memref_slice %arg13[%dma_start3A_295, %dma_start3A_296] : memref<10112x128xf32, #tpu.memory_space<vmem_shared>> -> memref<10112x128xf32, #tpu.memory_space<vmem_shared>>
        tpu.enqueue_indirect_dma source(%arg9 : memref<128x128xf32, #tpu.memory_space<vmem>>) target(%dma_start3A_297 : memref<10112x128xf32, #tpu.memory_space<vmem_shared>>) offsets(%dma_start3A_294 : memref<128xi32, #tpu.memory_space<vmem>>) semaphore(%run_scoped3A_291 : memref<!tpu.dma_semaphore, #tpu.memory_space<semaphore_mem>>) {add = true}
        %dma_wait3A_298 = arith.constant 0 : i32
        %dma_wait3A_299 = tpu.memref_slice %arg8[%run_scoped3A_142, %dma_wait3A_298] : memref<8x128xi32, #tpu.memory_space<vmem>> -> memref<1x128xi32, #tpu.memory_space<vmem>>
        %dma_wait3A_300 = tpu.memref_squeeze %dma_wait3A_299 : memref<1x128xi32, #tpu.memory_space<vmem>> -> memref<128xi32, #tpu.memory_space<vmem>>
        %dma_wait3A_301 = arith.constant 0 : i32
        %dma_wait3A_302 = arith.constant 0 : i32
        %dma_wait3A_303 = tpu.memref_slice %arg13[%dma_wait3A_301, %dma_wait3A_302] : memref<10112x128xf32, #tpu.memory_space<vmem_shared>> -> memref<10112x128xf32, #tpu.memory_space<vmem_shared>>
        tpu.wait_indirect_dma semaphore(%run_scoped3A_291 : memref<!tpu.dma_semaphore, #tpu.memory_space<semaphore_mem>>) src(%arg9 : memref<128x128xf32, #tpu.memory_space<vmem>>) dst(%dma_wait3A_303 : memref<10112x128xf32, #tpu.memory_space<vmem_shared>>)
        tpu.yield
      }) : () -> ()
      %add3A_143 = arith.constant 2 : i32
      %add3A_144 = arith.addi %add3A_134, %add3A_143 : i32
      %dma_start3A_145 = arith.constant 0 : i32
      %dma_start3A_146 = tpu.memref_slice %arg7[%add3A_144, %dma_start3A_145] : memref<80x128xi32, #tpu.memory_space<vmem>> -> memref<1x128xi32, #tpu.memory_space<vmem>>
      %dma_start3A_147 = tpu.memref_squeeze %dma_start3A_146 : memref<1x128xi32, #tpu.memory_space<vmem>> -> memref<128xi32, #tpu.memory_space<vmem>>
      %dma_start3A_148 = arith.constant 0 : i32
      %dma_start3A_149 = arith.constant 0 : i32
      %dma_start3A_150 = tpu.memref_slice %arg2[%dma_start3A_148, %dma_start3A_149] : memref<20000x128xf32, #tpu.memory_space<hbm>> -> memref<20000x128xf32, #tpu.memory_space<hbm>>
      tpu.enqueue_indirect_dma source(%dma_start3A_150 : memref<20000x128xf32, #tpu.memory_space<hbm>>) target(%arg9 : memref<128x128xf32, #tpu.memory_space<vmem>>) offsets(%dma_start3A_147 : memref<128xi32, #tpu.memory_space<vmem>>) semaphore(%arg11 : memref<!tpu.dma_semaphore, #tpu.memory_space<semaphore_mem>>)
      %mul3A_151 = arith.constant 8 : i32
      %mul3A_152 = arith.muli %scan3A_129, %mul3A_151 : i32
      %add3A_153 = arith.constant 1 : i32
      %add3A_154 = arith.addi %mul3A_152, %add3A_153 : i32
      %dma_wait3A_155 = arith.constant 0 : i32
      %dma_wait3A_156 = arith.constant 0 : i32
      %dma_wait3A_157 = tpu.memref_slice %arg7[%dma_wait3A_155, %dma_wait3A_156] : memref<80x128xi32, #tpu.memory_space<vmem>> -> memref<1x128xi32, #tpu.memory_space<vmem>>
      %dma_wait3A_158 = tpu.memref_squeeze %dma_wait3A_157 : memref<1x128xi32, #tpu.memory_space<vmem>> -> memref<128xi32, #tpu.memory_space<vmem>>
      %dma_wait3A_159 = arith.constant 0 : i32
      %dma_wait3A_160 = arith.constant 0 : i32
      %dma_wait3A_161 = tpu.memref_slice %arg2[%dma_wait3A_159, %dma_wait3A_160] : memref<20000x128xf32, #tpu.memory_space<hbm>> -> memref<20000x128xf32, #tpu.memory_space<hbm>>
      tpu.wait_indirect_dma semaphore(%arg12 : memref<!tpu.dma_semaphore, #tpu.memory_space<semaphore_mem>>) src(%dma_wait3A_161 : memref<20000x128xf32, #tpu.memory_space<hbm>>) dst(%arg10 : memref<128x128xf32, #tpu.memory_space<vmem>>)
      %run_scoped3A_162 = arith.constant 1 : i32
      "tpu.region"() ({
        %run_scoped3A_291 = tpu.sem_alloc : memref<!tpu.dma_semaphore, #tpu.memory_space<semaphore_mem>>
        %dma_start3A_292 = arith.constant 0 : i32
        %dma_start3A_293 = tpu.memref_slice %arg8[%run_scoped3A_162, %dma_start3A_292] : memref<8x128xi32, #tpu.memory_space<vmem>> -> memref<1x128xi32, #tpu.memory_space<vmem>>
        %dma_start3A_294 = tpu.memref_squeeze %dma_start3A_293 : memref<1x128xi32, #tpu.memory_space<vmem>> -> memref<128xi32, #tpu.memory_space<vmem>>
        %dma_start3A_295 = arith.constant 0 : i32
        %dma_start3A_296 = arith.constant 0 : i32
        %dma_start3A_297 = tpu.memref_slice %arg13[%dma_start3A_295, %dma_start3A_296] : memref<10112x128xf32, #tpu.memory_space<vmem_shared>> -> memref<10112x128xf32, #tpu.memory_space<vmem_shared>>
        tpu.enqueue_indirect_dma source(%arg10 : memref<128x128xf32, #tpu.memory_space<vmem>>) target(%dma_start3A_297 : memref<10112x128xf32, #tpu.memory_space<vmem_shared>>) offsets(%dma_start3A_294 : memref<128xi32, #tpu.memory_space<vmem>>) semaphore(%run_scoped3A_291 : memref<!tpu.dma_semaphore, #tpu.memory_space<semaphore_mem>>) {add = true}
        %dma_wait3A_298 = arith.constant 0 : i32
        %dma_wait3A_299 = tpu.memref_slice %arg8[%run_scoped3A_162, %dma_wait3A_298] : memref<8x128xi32, #tpu.memory_space<vmem>> -> memref<1x128xi32, #tpu.memory_space<vmem>>
        %dma_wait3A_300 = tpu.memref_squeeze %dma_wait3A_299 : memref<1x128xi32, #tpu.memory_space<vmem>> -> memref<128xi32, #tpu.memory_space<vmem>>
        %dma_wait3A_301 = arith.constant 0 : i32
        %dma_wait3A_302 = arith.constant 0 : i32
        %dma_wait3A_303 = tpu.memref_slice %arg13[%dma_wait3A_301, %dma_wait3A_302] : memref<10112x128xf32, #tpu.memory_space<vmem_shared>> -> memref<10112x128xf32, #tpu.memory_space<vmem_shared>>
        tpu.wait_indirect_dma semaphore(%run_scoped3A_291 : memref<!tpu.dma_semaphore, #tpu.memory_space<semaphore_mem>>) src(%arg10 : memref<128x128xf32, #tpu.memory_space<vmem>>) dst(%dma_wait3A_303 : memref<10112x128xf32, #tpu.memory_space<vmem_shared>>)
        tpu.yield
      }) : () -> ()
      %add3A_163 = arith.constant 2 : i32
      %add3A_164 = arith.addi %add3A_154, %add3A_163 : i32
      %dma_start3A_165 = arith.constant 0 : i32
      %dma_start3A_166 = tpu.memref_slice %arg7[%add3A_164, %dma_start3A_165] : memref<80x128xi32, #tpu.memory_space<vmem>> -> memref<1x128xi32, #tpu.memory_space<vmem>>
      %dma_start3A_167 = tpu.memref_squeeze %dma_start3A_166 : memref<1x128xi32, #tpu.memory_space<vmem>> -> memref<128xi32, #tpu.memory_space<vmem>>
      %dma_start3A_168 = arith.constant 0 : i32
      %dma_start3A_169 = arith.constant 0 : i32
      %dma_start3A_170 = tpu.memref_slice %arg2[%dma_start3A_168, %dma_start3A_169] : memref<20000x128xf32, #tpu.memory_space<hbm>> -> memref<20000x128xf32, #tpu.memory_space<hbm>>
      tpu.enqueue_indirect_dma source(%dma_start3A_170 : memref<20000x128xf32, #tpu.memory_space<hbm>>) target(%arg10 : memref<128x128xf32, #tpu.memory_space<vmem>>) offsets(%dma_start3A_167 : memref<128xi32, #tpu.memory_space<vmem>>) semaphore(%arg12 : memref<!tpu.dma_semaphore, #tpu.memory_space<semaphore_mem>>)
      %mul3A_171 = arith.constant 8 : i32
      %mul3A_172 = arith.muli %scan3A_129, %mul3A_171 : i32
      %add3A_173 = arith.constant 2 : i32
      %add3A_174 = arith.addi %mul3A_172, %add3A_173 : i32
      %dma_wait3A_175 = arith.constant 0 : i32
      %dma_wait3A_176 = arith.constant 0 : i32
      %dma_wait3A_177 = tpu.memref_slice %arg7[%dma_wait3A_175, %dma_wait3A_176] : memref<80x128xi32, #tpu.memory_space<vmem>> -> memref<1x128xi32, #tpu.memory_space<vmem>>
      %dma_wait3A_178 = tpu.memref_squeeze %dma_wait3A_177 : memref<1x128xi32, #tpu.memory_space<vmem>> -> memref<128xi32, #tpu.memory_space<vmem>>
      %dma_wait3A_179 = arith.constant 0 : i32
      %dma_wait3A_180 = arith.constant 0 : i32
      %dma_wait3A_181 = tpu.memref_slice %arg2[%dma_wait3A_179, %dma_wait3A_180] : memref<20000x128xf32, #tpu.memory_space<hbm>> -> memref<20000x128xf32, #tpu.memory_space<hbm>>
      tpu.wait_indirect_dma semaphore(%arg11 : memref<!tpu.dma_semaphore, #tpu.memory_space<semaphore_mem>>) src(%dma_wait3A_181 : memref<20000x128xf32, #tpu.memory_space<hbm>>) dst(%arg9 : memref<128x128xf32, #tpu.memory_space<vmem>>)
      %run_scoped3A_182 = arith.constant 2 : i32
      "tpu.region"() ({
        %run_scoped3A_291 = tpu.sem_alloc : memref<!tpu.dma_semaphore, #tpu.memory_space<semaphore_mem>>
        %dma_start3A_292 = arith.constant 0 : i32
        %dma_start3A_293 = tpu.memref_slice %arg8[%run_scoped3A_182, %dma_start3A_292] : memref<8x128xi32, #tpu.memory_space<vmem>> -> memref<1x128xi32, #tpu.memory_space<vmem>>
        %dma_start3A_294 = tpu.memref_squeeze %dma_start3A_293 : memref<1x128xi32, #tpu.memory_space<vmem>> -> memref<128xi32, #tpu.memory_space<vmem>>
        %dma_start3A_295 = arith.constant 0 : i32
        %dma_start3A_296 = arith.constant 0 : i32
        %dma_start3A_297 = tpu.memref_slice %arg13[%dma_start3A_295, %dma_start3A_296] : memref<10112x128xf32, #tpu.memory_space<vmem_shared>> -> memref<10112x128xf32, #tpu.memory_space<vmem_shared>>
        tpu.enqueue_indirect_dma source(%arg9 : memref<128x128xf32, #tpu.memory_space<vmem>>) target(%dma_start3A_297 : memref<10112x128xf32, #tpu.memory_space<vmem_shared>>) offsets(%dma_start3A_294 : memref<128xi32, #tpu.memory_space<vmem>>) semaphore(%run_scoped3A_291 : memref<!tpu.dma_semaphore, #tpu.memory_space<semaphore_mem>>) {add = true}
        %dma_wait3A_298 = arith.constant 0 : i32
        %dma_wait3A_299 = tpu.memref_slice %arg8[%run_scoped3A_182, %dma_wait3A_298] : memref<8x128xi32, #tpu.memory_space<vmem>> -> memref<1x128xi32, #tpu.memory_space<vmem>>
        %dma_wait3A_300 = tpu.memref_squeeze %dma_wait3A_299 : memref<1x128xi32, #tpu.memory_space<vmem>> -> memref<128xi32, #tpu.memory_space<vmem>>
        %dma_wait3A_301 = arith.constant 0 : i32
        %dma_wait3A_302 = arith.constant 0 : i32
        %dma_wait3A_303 = tpu.memref_slice %arg13[%dma_wait3A_301, %dma_wait3A_302] : memref<10112x128xf32, #tpu.memory_space<vmem_shared>> -> memref<10112x128xf32, #tpu.memory_space<vmem_shared>>
        tpu.wait_indirect_dma semaphore(%run_scoped3A_291 : memref<!tpu.dma_semaphore, #tpu.memory_space<semaphore_mem>>) src(%arg9 : memref<128x128xf32, #tpu.memory_space<vmem>>) dst(%dma_wait3A_303 : memref<10112x128xf32, #tpu.memory_space<vmem_shared>>)
        tpu.yield
      }) : () -> ()
      %add3A_183 = arith.constant 2 : i32
      %add3A_184 = arith.addi %add3A_174, %add3A_183 : i32
      %dma_start3A_185 = arith.constant 0 : i32
      %dma_start3A_186 = tpu.memref_slice %arg7[%add3A_184, %dma_start3A_185] : memref<80x128xi32, #tpu.memory_space<vmem>> -> memref<1x128xi32, #tpu.memory_space<vmem>>
      %dma_start3A_187 = tpu.memref_squeeze %dma_start3A_186 : memref<1x128xi32, #tpu.memory_space<vmem>> -> memref<128xi32, #tpu.memory_space<vmem>>
      %dma_start3A_188 = arith.constant 0 : i32
      %dma_start3A_189 = arith.constant 0 : i32
      %dma_start3A_190 = tpu.memref_slice %arg2[%dma_start3A_188, %dma_start3A_189] : memref<20000x128xf32, #tpu.memory_space<hbm>> -> memref<20000x128xf32, #tpu.memory_space<hbm>>
      tpu.enqueue_indirect_dma source(%dma_start3A_190 : memref<20000x128xf32, #tpu.memory_space<hbm>>) target(%arg9 : memref<128x128xf32, #tpu.memory_space<vmem>>) offsets(%dma_start3A_187 : memref<128xi32, #tpu.memory_space<vmem>>) semaphore(%arg11 : memref<!tpu.dma_semaphore, #tpu.memory_space<semaphore_mem>>)
      %mul3A_191 = arith.constant 8 : i32
      %mul3A_192 = arith.muli %scan3A_129, %mul3A_191 : i32
      %add3A_193 = arith.constant 3 : i32
      %add3A_194 = arith.addi %mul3A_192, %add3A_193 : i32
      %dma_wait3A_195 = arith.constant 0 : i32
      %dma_wait3A_196 = arith.constant 0 : i32
      %dma_wait3A_197 = tpu.memref_slice %arg7[%dma_wait3A_195, %dma_wait3A_196] : memref<80x128xi32, #tpu.memory_space<vmem>> -> memref<1x128xi32, #tpu.memory_space<vmem>>
      %dma_wait3A_198 = tpu.memref_squeeze %dma_wait3A_197 : memref<1x128xi32, #tpu.memory_space<vmem>> -> memref<128xi32, #tpu.memory_space<vmem>>
      %dma_wait3A_199 = arith.constant 0 : i32
      %dma_wait3A_200 = arith.constant 0 : i32
      %dma_wait3A_201 = tpu.memref_slice %arg2[%dma_wait3A_199, %dma_wait3A_200] : memref<20000x128xf32, #tpu.memory_space<hbm>> -> memref<20000x128xf32, #tpu.memory_space<hbm>>
      tpu.wait_indirect_dma semaphore(%arg12 : memref<!tpu.dma_semaphore, #tpu.memory_space<semaphore_mem>>) src(%dma_wait3A_201 : memref<20000x128xf32, #tpu.memory_space<hbm>>) dst(%arg10 : memref<128x128xf32, #tpu.memory_space<vmem>>)
      %run_scoped3A_202 = arith.constant 3 : i32
      "tpu.region"() ({
        %run_scoped3A_291 = tpu.sem_alloc : memref<!tpu.dma_semaphore, #tpu.memory_space<semaphore_mem>>
        %dma_start3A_292 = arith.constant 0 : i32
        %dma_start3A_293 = tpu.memref_slice %arg8[%run_scoped3A_202, %dma_start3A_292] : memref<8x128xi32, #tpu.memory_space<vmem>> -> memref<1x128xi32, #tpu.memory_space<vmem>>
        %dma_start3A_294 = tpu.memref_squeeze %dma_start3A_293 : memref<1x128xi32, #tpu.memory_space<vmem>> -> memref<128xi32, #tpu.memory_space<vmem>>
        %dma_start3A_295 = arith.constant 0 : i32
        %dma_start3A_296 = arith.constant 0 : i32
        %dma_start3A_297 = tpu.memref_slice %arg13[%dma_start3A_295, %dma_start3A_296] : memref<10112x128xf32, #tpu.memory_space<vmem_shared>> -> memref<10112x128xf32, #tpu.memory_space<vmem_shared>>
        tpu.enqueue_indirect_dma source(%arg10 : memref<128x128xf32, #tpu.memory_space<vmem>>) target(%dma_start3A_297 : memref<10112x128xf32, #tpu.memory_space<vmem_shared>>) offsets(%dma_start3A_294 : memref<128xi32, #tpu.memory_space<vmem>>) semaphore(%run_scoped3A_291 : memref<!tpu.dma_semaphore, #tpu.memory_space<semaphore_mem>>) {add = true}
        %dma_wait3A_298 = arith.constant 0 : i32
        %dma_wait3A_299 = tpu.memref_slice %arg8[%run_scoped3A_202, %dma_wait3A_298] : memref<8x128xi32, #tpu.memory_space<vmem>> -> memref<1x128xi32, #tpu.memory_space<vmem>>
        %dma_wait3A_300 = tpu.memref_squeeze %dma_wait3A_299 : memref<1x128xi32, #tpu.memory_space<vmem>> -> memref<128xi32, #tpu.memory_space<vmem>>
        %dma_wait3A_301 = arith.constant 0 : i32
        %dma_wait3A_302 = arith.constant 0 : i32
        %dma_wait3A_303 = tpu.memref_slice %arg13[%dma_wait3A_301, %dma_wait3A_302] : memref<10112x128xf32, #tpu.memory_space<vmem_shared>> -> memref<10112x128xf32, #tpu.memory_space<vmem_shared>>
        tpu.wait_indirect_dma semaphore(%run_scoped3A_291 : memref<!tpu.dma_semaphore, #tpu.memory_space<semaphore_mem>>) src(%arg10 : memref<128x128xf32, #tpu.memory_space<vmem>>) dst(%dma_wait3A_303 : memref<10112x128xf32, #tpu.memory_space<vmem_shared>>)
        tpu.yield
      }) : () -> ()
      %add3A_203 = arith.constant 2 : i32
      %add3A_204 = arith.addi %add3A_194, %add3A_203 : i32
      %dma_start3A_205 = arith.constant 0 : i32
      %dma_start3A_206 = tpu.memref_slice %arg7[%add3A_204, %dma_start3A_205] : memref<80x128xi32, #tpu.memory_space<vmem>> -> memref<1x128xi32, #tpu.memory_space<vmem>>
      %dma_start3A_207 = tpu.memref_squeeze %dma_start3A_206 : memref<1x128xi32, #tpu.memory_space<vmem>> -> memref<128xi32, #tpu.memory_space<vmem>>
      %dma_start3A_208 = arith.constant 0 : i32
      %dma_start3A_209 = arith.constant 0 : i32
      %dma_start3A_210 = tpu.memref_slice %arg2[%dma_start3A_208, %dma_start3A_209] : memref<20000x128xf32, #tpu.memory_space<hbm>> -> memref<20000x128xf32, #tpu.memory_space<hbm>>
      tpu.enqueue_indirect_dma source(%dma_start3A_210 : memref<20000x128xf32, #tpu.memory_space<hbm>>) target(%arg10 : memref<128x128xf32, #tpu.memory_space<vmem>>) offsets(%dma_start3A_207 : memref<128xi32, #tpu.memory_space<vmem>>) semaphore(%arg12 : memref<!tpu.dma_semaphore, #tpu.memory_space<semaphore_mem>>)
      %mul3A_211 = arith.constant 8 : i32
      %mul3A_212 = arith.muli %scan3A_129, %mul3A_211 : i32
      %add3A_213 = arith.constant 4 : i32
      %add3A_214 = arith.addi %mul3A_212, %add3A_213 : i32
      %dma_wait3A_215 = arith.constant 0 : i32
      %dma_wait3A_216 = arith.constant 0 : i32
      %dma_wait3A_217 = tpu.memref_slice %arg7[%dma_wait3A_215, %dma_wait3A_216] : memref<80x128xi32, #tpu.memory_space<vmem>> -> memref<1x128xi32, #tpu.memory_space<vmem>>
      %dma_wait3A_218 = tpu.memref_squeeze %dma_wait3A_217 : memref<1x128xi32, #tpu.memory_space<vmem>> -> memref<128xi32, #tpu.memory_space<vmem>>
      %dma_wait3A_219 = arith.constant 0 : i32
      %dma_wait3A_220 = arith.constant 0 : i32
      %dma_wait3A_221 = tpu.memref_slice %arg2[%dma_wait3A_219, %dma_wait3A_220] : memref<20000x128xf32, #tpu.memory_space<hbm>> -> memref<20000x128xf32, #tpu.memory_space<hbm>>
      tpu.wait_indirect_dma semaphore(%arg11 : memref<!tpu.dma_semaphore, #tpu.memory_space<semaphore_mem>>) src(%dma_wait3A_221 : memref<20000x128xf32, #tpu.memory_space<hbm>>) dst(%arg9 : memref<128x128xf32, #tpu.memory_space<vmem>>)
      %run_scoped3A_222 = arith.constant 4 : i32
      "tpu.region"() ({
        %run_scoped3A_291 = tpu.sem_alloc : memref<!tpu.dma_semaphore, #tpu.memory_space<semaphore_mem>>
        %dma_start3A_292 = arith.constant 0 : i32
        %dma_start3A_293 = tpu.memref_slice %arg8[%run_scoped3A_222, %dma_start3A_292] : memref<8x128xi32, #tpu.memory_space<vmem>> -> memref<1x128xi32, #tpu.memory_space<vmem>>
        %dma_start3A_294 = tpu.memref_squeeze %dma_start3A_293 : memref<1x128xi32, #tpu.memory_space<vmem>> -> memref<128xi32, #tpu.memory_space<vmem>>
        %dma_start3A_295 = arith.constant 0 : i32
        %dma_start3A_296 = arith.constant 0 : i32
        %dma_start3A_297 = tpu.memref_slice %arg13[%dma_start3A_295, %dma_start3A_296] : memref<10112x128xf32, #tpu.memory_space<vmem_shared>> -> memref<10112x128xf32, #tpu.memory_space<vmem_shared>>
        tpu.enqueue_indirect_dma source(%arg9 : memref<128x128xf32, #tpu.memory_space<vmem>>) target(%dma_start3A_297 : memref<10112x128xf32, #tpu.memory_space<vmem_shared>>) offsets(%dma_start3A_294 : memref<128xi32, #tpu.memory_space<vmem>>) semaphore(%run_scoped3A_291 : memref<!tpu.dma_semaphore, #tpu.memory_space<semaphore_mem>>) {add = true}
        %dma_wait3A_298 = arith.constant 0 : i32
        %dma_wait3A_299 = tpu.memref_slice %arg8[%run_scoped3A_222, %dma_wait3A_298] : memref<8x128xi32, #tpu.memory_space<vmem>> -> memref<1x128xi32, #tpu.memory_space<vmem>>
        %dma_wait3A_300 = tpu.memref_squeeze %dma_wait3A_299 : memref<1x128xi32, #tpu.memory_space<vmem>> -> memref<128xi32, #tpu.memory_space<vmem>>
        %dma_wait3A_301 = arith.constant 0 : i32
        %dma_wait3A_302 = arith.constant 0 : i32
        %dma_wait3A_303 = tpu.memref_slice %arg13[%dma_wait3A_301, %dma_wait3A_302] : memref<10112x128xf32, #tpu.memory_space<vmem_shared>> -> memref<10112x128xf32, #tpu.memory_space<vmem_shared>>
        tpu.wait_indirect_dma semaphore(%run_scoped3A_291 : memref<!tpu.dma_semaphore, #tpu.memory_space<semaphore_mem>>) src(%arg9 : memref<128x128xf32, #tpu.memory_space<vmem>>) dst(%dma_wait3A_303 : memref<10112x128xf32, #tpu.memory_space<vmem_shared>>)
        tpu.yield
      }) : () -> ()
      %add3A_223 = arith.constant 2 : i32
      %add3A_224 = arith.addi %add3A_214, %add3A_223 : i32
      %dma_start3A_225 = arith.constant 0 : i32
      %dma_start3A_226 = tpu.memref_slice %arg7[%add3A_224, %dma_start3A_225] : memref<80x128xi32, #tpu.memory_space<vmem>> -> memref<1x128xi32, #tpu.memory_space<vmem>>
      %dma_start3A_227 = tpu.memref_squeeze %dma_start3A_226 : memref<1x128xi32, #tpu.memory_space<vmem>> -> memref<128xi32, #tpu.memory_space<vmem>>
      %dma_start3A_228 = arith.constant 0 : i32
      %dma_start3A_229 = arith.constant 0 : i32
      %dma_start3A_230 = tpu.memref_slice %arg2[%dma_start3A_228, %dma_start3A_229] : memref<20000x128xf32, #tpu.memory_space<hbm>> -> memref<20000x128xf32, #tpu.memory_space<hbm>>
      tpu.enqueue_indirect_dma source(%dma_start3A_230 : memref<20000x128xf32, #tpu.memory_space<hbm>>) target(%arg9 : memref<128x128xf32, #tpu.memory_space<vmem>>) offsets(%dma_start3A_227 : memref<128xi32, #tpu.memory_space<vmem>>) semaphore(%arg11 : memref<!tpu.dma_semaphore, #tpu.memory_space<semaphore_mem>>)
      %mul3A_231 = arith.constant 8 : i32
      %mul3A_232 = arith.muli %scan3A_129, %mul3A_231 : i32
      %add3A_233 = arith.constant 5 : i32
      %add3A_234 = arith.addi %mul3A_232, %add3A_233 : i32
      %dma_wait3A_235 = arith.constant 0 : i32
      %dma_wait3A_236 = arith.constant 0 : i32
      %dma_wait3A_237 = tpu.memref_slice %arg7[%dma_wait3A_235, %dma_wait3A_236] : memref<80x128xi32, #tpu.memory_space<vmem>> -> memref<1x128xi32, #tpu.memory_space<vmem>>
      %dma_wait3A_238 = tpu.memref_squeeze %dma_wait3A_237 : memref<1x128xi32, #tpu.memory_space<vmem>> -> memref<128xi32, #tpu.memory_space<vmem>>
      %dma_wait3A_239 = arith.constant 0 : i32
      %dma_wait3A_240 = arith.constant 0 : i32
      %dma_wait3A_241 = tpu.memref_slice %arg2[%dma_wait3A_239, %dma_wait3A_240] : memref<20000x128xf32, #tpu.memory_space<hbm>> -> memref<20000x128xf32, #tpu.memory_space<hbm>>
      tpu.wait_indirect_dma semaphore(%arg12 : memref<!tpu.dma_semaphore, #tpu.memory_space<semaphore_mem>>) src(%dma_wait3A_241 : memref<20000x128xf32, #tpu.memory_space<hbm>>) dst(%arg10 : memref<128x128xf32, #tpu.memory_space<vmem>>)
      %run_scoped3A_242 = arith.constant 5 : i32
      "tpu.region"() ({
        %run_scoped3A_291 = tpu.sem_alloc : memref<!tpu.dma_semaphore, #tpu.memory_space<semaphore_mem>>
        %dma_start3A_292 = arith.constant 0 : i32
        %dma_start3A_293 = tpu.memref_slice %arg8[%run_scoped3A_242, %dma_start3A_292] : memref<8x128xi32, #tpu.memory_space<vmem>> -> memref<1x128xi32, #tpu.memory_space<vmem>>
        %dma_start3A_294 = tpu.memref_squeeze %dma_start3A_293 : memref<1x128xi32, #tpu.memory_space<vmem>> -> memref<128xi32, #tpu.memory_space<vmem>>
        %dma_start3A_295 = arith.constant 0 : i32
        %dma_start3A_296 = arith.constant 0 : i32
        %dma_start3A_297 = tpu.memref_slice %arg13[%dma_start3A_295, %dma_start3A_296] : memref<10112x128xf32, #tpu.memory_space<vmem_shared>> -> memref<10112x128xf32, #tpu.memory_space<vmem_shared>>
        tpu.enqueue_indirect_dma source(%arg10 : memref<128x128xf32, #tpu.memory_space<vmem>>) target(%dma_start3A_297 : memref<10112x128xf32, #tpu.memory_space<vmem_shared>>) offsets(%dma_start3A_294 : memref<128xi32, #tpu.memory_space<vmem>>) semaphore(%run_scoped3A_291 : memref<!tpu.dma_semaphore, #tpu.memory_space<semaphore_mem>>) {add = true}
        %dma_wait3A_298 = arith.constant 0 : i32
        %dma_wait3A_299 = tpu.memref_slice %arg8[%run_scoped3A_242, %dma_wait3A_298] : memref<8x128xi32, #tpu.memory_space<vmem>> -> memref<1x128xi32, #tpu.memory_space<vmem>>
        %dma_wait3A_300 = tpu.memref_squeeze %dma_wait3A_299 : memref<1x128xi32, #tpu.memory_space<vmem>> -> memref<128xi32, #tpu.memory_space<vmem>>
        %dma_wait3A_301 = arith.constant 0 : i32
        %dma_wait3A_302 = arith.constant 0 : i32
        %dma_wait3A_303 = tpu.memref_slice %arg13[%dma_wait3A_301, %dma_wait3A_302] : memref<10112x128xf32, #tpu.memory_space<vmem_shared>> -> memref<10112x128xf32, #tpu.memory_space<vmem_shared>>
        tpu.wait_indirect_dma semaphore(%run_scoped3A_291 : memref<!tpu.dma_semaphore, #tpu.memory_space<semaphore_mem>>) src(%arg10 : memref<128x128xf32, #tpu.memory_space<vmem>>) dst(%dma_wait3A_303 : memref<10112x128xf32, #tpu.memory_space<vmem_shared>>)
        tpu.yield
      }) : () -> ()
      %add3A_243 = arith.constant 2 : i32
      %add3A_244 = arith.addi %add3A_234, %add3A_243 : i32
      %dma_start3A_245 = arith.constant 0 : i32
      %dma_start3A_246 = tpu.memref_slice %arg7[%add3A_244, %dma_start3A_245] : memref<80x128xi32, #tpu.memory_space<vmem>> -> memref<1x128xi32, #tpu.memory_space<vmem>>
      %dma_start3A_247 = tpu.memref_squeeze %dma_start3A_246 : memref<1x128xi32, #tpu.memory_space<vmem>> -> memref<128xi32, #tpu.memory_space<vmem>>
      %dma_start3A_248 = arith.constant 0 : i32
      %dma_start3A_249 = arith.constant 0 : i32
      %dma_start3A_250 = tpu.memref_slice %arg2[%dma_start3A_248, %dma_start3A_249] : memref<20000x128xf32, #tpu.memory_space<hbm>> -> memref<20000x128xf32, #tpu.memory_space<hbm>>
      tpu.enqueue_indirect_dma source(%dma_start3A_250 : memref<20000x128xf32, #tpu.memory_space<hbm>>) target(%arg10 : memref<128x128xf32, #tpu.memory_space<vmem>>) offsets(%dma_start3A_247 : memref<128xi32, #tpu.memory_space<vmem>>) semaphore(%arg12 : memref<!tpu.dma_semaphore, #tpu.memory_space<semaphore_mem>>)
      %mul3A_251 = arith.constant 8 : i32
      %mul3A_252 = arith.muli %scan3A_129, %mul3A_251 : i32
      %add3A_253 = arith.constant 6 : i32
      %add3A_254 = arith.addi %mul3A_252, %add3A_253 : i32
      %dma_wait3A_255 = arith.constant 0 : i32
      %dma_wait3A_256 = arith.constant 0 : i32
      %dma_wait3A_257 = tpu.memref_slice %arg7[%dma_wait3A_255, %dma_wait3A_256] : memref<80x128xi32, #tpu.memory_space<vmem>> -> memref<1x128xi32, #tpu.memory_space<vmem>>
      %dma_wait3A_258 = tpu.memref_squeeze %dma_wait3A_257 : memref<1x128xi32, #tpu.memory_space<vmem>> -> memref<128xi32, #tpu.memory_space<vmem>>
      %dma_wait3A_259 = arith.constant 0 : i32
      %dma_wait3A_260 = arith.constant 0 : i32
      %dma_wait3A_261 = tpu.memref_slice %arg2[%dma_wait3A_259, %dma_wait3A_260] : memref<20000x128xf32, #tpu.memory_space<hbm>> -> memref<20000x128xf32, #tpu.memory_space<hbm>>
      tpu.wait_indirect_dma semaphore(%arg11 : memref<!tpu.dma_semaphore, #tpu.memory_space<semaphore_mem>>) src(%dma_wait3A_261 : memref<20000x128xf32, #tpu.memory_space<hbm>>) dst(%arg9 : memref<128x128xf32, #tpu.memory_space<vmem>>)
      %run_scoped3A_262 = arith.constant 6 : i32
      "tpu.region"() ({
        %run_scoped3A_291 = tpu.sem_alloc : memref<!tpu.dma_semaphore, #tpu.memory_space<semaphore_mem>>
        %dma_start3A_292 = arith.constant 0 : i32
        %dma_start3A_293 = tpu.memref_slice %arg8[%run_scoped3A_262, %dma_start3A_292] : memref<8x128xi32, #tpu.memory_space<vmem>> -> memref<1x128xi32, #tpu.memory_space<vmem>>
        %dma_start3A_294 = tpu.memref_squeeze %dma_start3A_293 : memref<1x128xi32, #tpu.memory_space<vmem>> -> memref<128xi32, #tpu.memory_space<vmem>>
        %dma_start3A_295 = arith.constant 0 : i32
        %dma_start3A_296 = arith.constant 0 : i32
        %dma_start3A_297 = tpu.memref_slice %arg13[%dma_start3A_295, %dma_start3A_296] : memref<10112x128xf32, #tpu.memory_space<vmem_shared>> -> memref<10112x128xf32, #tpu.memory_space<vmem_shared>>
        tpu.enqueue_indirect_dma source(%arg9 : memref<128x128xf32, #tpu.memory_space<vmem>>) target(%dma_start3A_297 : memref<10112x128xf32, #tpu.memory_space<vmem_shared>>) offsets(%dma_start3A_294 : memref<128xi32, #tpu.memory_space<vmem>>) semaphore(%run_scoped3A_291 : memref<!tpu.dma_semaphore, #tpu.memory_space<semaphore_mem>>) {add = true}
        %dma_wait3A_298 = arith.constant 0 : i32
        %dma_wait3A_299 = tpu.memref_slice %arg8[%run_scoped3A_262, %dma_wait3A_298] : memref<8x128xi32, #tpu.memory_space<vmem>> -> memref<1x128xi32, #tpu.memory_space<vmem>>
        %dma_wait3A_300 = tpu.memref_squeeze %dma_wait3A_299 : memref<1x128xi32, #tpu.memory_space<vmem>> -> memref<128xi32, #tpu.memory_space<vmem>>
        %dma_wait3A_301 = arith.constant 0 : i32
        %dma_wait3A_302 = arith.constant 0 : i32
        %dma_wait3A_303 = tpu.memref_slice %arg13[%dma_wait3A_301, %dma_wait3A_302] : memref<10112x128xf32, #tpu.memory_space<vmem_shared>> -> memref<10112x128xf32, #tpu.memory_space<vmem_shared>>
        tpu.wait_indirect_dma semaphore(%run_scoped3A_291 : memref<!tpu.dma_semaphore, #tpu.memory_space<semaphore_mem>>) src(%arg9 : memref<128x128xf32, #tpu.memory_space<vmem>>) dst(%dma_wait3A_303 : memref<10112x128xf32, #tpu.memory_space<vmem_shared>>)
        tpu.yield
      }) : () -> ()
      %add3A_263 = arith.constant 2 : i32
      %add3A_264 = arith.addi %add3A_254, %add3A_263 : i32
      %dma_start3A_265 = arith.constant 0 : i32
      %dma_start3A_266 = tpu.memref_slice %arg7[%add3A_264, %dma_start3A_265] : memref<80x128xi32, #tpu.memory_space<vmem>> -> memref<1x128xi32, #tpu.memory_space<vmem>>
      %dma_start3A_267 = tpu.memref_squeeze %dma_start3A_266 : memref<1x128xi32, #tpu.memory_space<vmem>> -> memref<128xi32, #tpu.memory_space<vmem>>
      %dma_start3A_268 = arith.constant 0 : i32
      %dma_start3A_269 = arith.constant 0 : i32
      %dma_start3A_270 = tpu.memref_slice %arg2[%dma_start3A_268, %dma_start3A_269] : memref<20000x128xf32, #tpu.memory_space<hbm>> -> memref<20000x128xf32, #tpu.memory_space<hbm>>
      tpu.enqueue_indirect_dma source(%dma_start3A_270 : memref<20000x128xf32, #tpu.memory_space<hbm>>) target(%arg9 : memref<128x128xf32, #tpu.memory_space<vmem>>) offsets(%dma_start3A_267 : memref<128xi32, #tpu.memory_space<vmem>>) semaphore(%arg11 : memref<!tpu.dma_semaphore, #tpu.memory_space<semaphore_mem>>)
      %mul3A_271 = arith.constant 8 : i32
      %mul3A_272 = arith.muli %scan3A_129, %mul3A_271 : i32
      %add3A_273 = arith.constant 7 : i32
      %add3A_274 = arith.addi %mul3A_272, %add3A_273 : i32
      %dma_wait3A_275 = arith.constant 0 : i32
      %dma_wait3A_276 = arith.constant 0 : i32
      %dma_wait3A_277 = tpu.memref_slice %arg7[%dma_wait3A_275, %dma_wait3A_276] : memref<80x128xi32, #tpu.memory_space<vmem>> -> memref<1x128xi32, #tpu.memory_space<vmem>>
      %dma_wait3A_278 = tpu.memref_squeeze %dma_wait3A_277 : memref<1x128xi32, #tpu.memory_space<vmem>> -> memref<128xi32, #tpu.memory_space<vmem>>
      %dma_wait3A_279 = arith.constant 0 : i32
      %dma_wait3A_280 = arith.constant 0 : i32
      %dma_wait3A_281 = tpu.memref_slice %arg2[%dma_wait3A_279, %dma_wait3A_280] : memref<20000x128xf32, #tpu.memory_space<hbm>> -> memref<20000x128xf32, #tpu.memory_space<hbm>>
      tpu.wait_indirect_dma semaphore(%arg12 : memref<!tpu.dma_semaphore, #tpu.memory_space<semaphore_mem>>) src(%dma_wait3A_281 : memref<20000x128xf32, #tpu.memory_space<hbm>>) dst(%arg10 : memref<128x128xf32, #tpu.memory_space<vmem>>)
      %run_scoped3A_282 = arith.constant 7 : i32
      "tpu.region"() ({
        %run_scoped3A_291 = tpu.sem_alloc : memref<!tpu.dma_semaphore, #tpu.memory_space<semaphore_mem>>
        %dma_start3A_292 = arith.constant 0 : i32
        %dma_start3A_293 = tpu.memref_slice %arg8[%run_scoped3A_282, %dma_start3A_292] : memref<8x128xi32, #tpu.memory_space<vmem>> -> memref<1x128xi32, #tpu.memory_space<vmem>>
        %dma_start3A_294 = tpu.memref_squeeze %dma_start3A_293 : memref<1x128xi32, #tpu.memory_space<vmem>> -> memref<128xi32, #tpu.memory_space<vmem>>
        %dma_start3A_295 = arith.constant 0 : i32
        %dma_start3A_296 = arith.constant 0 : i32
        %dma_start3A_297 = tpu.memref_slice %arg13[%dma_start3A_295, %dma_start3A_296] : memref<10112x128xf32, #tpu.memory_space<vmem_shared>> -> memref<10112x128xf32, #tpu.memory_space<vmem_shared>>
        tpu.enqueue_indirect_dma source(%arg10 : memref<128x128xf32, #tpu.memory_space<vmem>>) target(%dma_start3A_297 : memref<10112x128xf32, #tpu.memory_space<vmem_shared>>) offsets(%dma_start3A_294 : memref<128xi32, #tpu.memory_space<vmem>>) semaphore(%run_scoped3A_291 : memref<!tpu.dma_semaphore, #tpu.memory_space<semaphore_mem>>) {add = true}
        %dma_wait3A_298 = arith.constant 0 : i32
        %dma_wait3A_299 = tpu.memref_slice %arg8[%run_scoped3A_282, %dma_wait3A_298] : memref<8x128xi32, #tpu.memory_space<vmem>> -> memref<1x128xi32, #tpu.memory_space<vmem>>
        %dma_wait3A_300 = tpu.memref_squeeze %dma_wait3A_299 : memref<1x128xi32, #tpu.memory_space<vmem>> -> memref<128xi32, #tpu.memory_space<vmem>>
        %dma_wait3A_301 = arith.constant 0 : i32
        %dma_wait3A_302 = arith.constant 0 : i32
        %dma_wait3A_303 = tpu.memref_slice %arg13[%dma_wait3A_301, %dma_wait3A_302] : memref<10112x128xf32, #tpu.memory_space<vmem_shared>> -> memref<10112x128xf32, #tpu.memory_space<vmem_shared>>
        tpu.wait_indirect_dma semaphore(%run_scoped3A_291 : memref<!tpu.dma_semaphore, #tpu.memory_space<semaphore_mem>>) src(%arg10 : memref<128x128xf32, #tpu.memory_space<vmem>>) dst(%dma_wait3A_303 : memref<10112x128xf32, #tpu.memory_space<vmem_shared>>)
        tpu.yield
      }) : () -> ()
      %add3A_283 = arith.constant 2 : i32
      %add3A_284 = arith.addi %add3A_274, %add3A_283 : i32
      %dma_start3A_285 = arith.constant 0 : i32
      %dma_start3A_286 = tpu.memref_slice %arg7[%add3A_284, %dma_start3A_285] : memref<80x128xi32, #tpu.memory_space<vmem>> -> memref<1x128xi32, #tpu.memory_space<vmem>>
      %dma_start3A_287 = tpu.memref_squeeze %dma_start3A_286 : memref<1x128xi32, #tpu.memory_space<vmem>> -> memref<128xi32, #tpu.memory_space<vmem>>
      %dma_start3A_288 = arith.constant 0 : i32
      %dma_start3A_289 = arith.constant 0 : i32
      %dma_start3A_290 = tpu.memref_slice %arg2[%dma_start3A_288, %dma_start3A_289] : memref<20000x128xf32, #tpu.memory_space<hbm>> -> memref<20000x128xf32, #tpu.memory_space<hbm>>
      tpu.enqueue_indirect_dma source(%dma_start3A_290 : memref<20000x128xf32, #tpu.memory_space<hbm>>) target(%arg10 : memref<128x128xf32, #tpu.memory_space<vmem>>) offsets(%dma_start3A_287 : memref<128xi32, #tpu.memory_space<vmem>>) semaphore(%arg12 : memref<!tpu.dma_semaphore, #tpu.memory_space<semaphore_mem>>)
    }
    %scan3A_17 = arith.constant 9 : i32
    "tpu.region"() ({
      %run_scoped3A_129 = tpu.sem_alloc : memref<!tpu.dma_semaphore, #tpu.memory_space<semaphore_mem>>
      %dma_start3A_130 = arith.constant 72 : i32
      %dma_start3A_131 = arith.constant 0 : i32
      %dma_start3A_132 = tpu.memref_slice %arg4[%arg1, %dma_start3A_130, %dma_start3A_131] : memref<16x80x128xi32, #tpu.memory_space<hbm>> -> memref<1x8x128xi32, #tpu.memory_space<hbm>>
      %dma_start3A_133 = tpu.memref_squeeze %dma_start3A_132 : memref<1x8x128xi32, #tpu.memory_space<hbm>> -> memref<8x128xi32, #tpu.memory_space<hbm>>
      %dma_start3A_134 = arith.constant 72 : i32
      %dma_start3A_135 = arith.constant 0 : i32
      %dma_start3A_136 = tpu.memref_slice %arg4[%arg1, %dma_start3A_134, %dma_start3A_135] : memref<16x80x128xi32, #tpu.memory_space<hbm>> -> memref<1x8x128xi32, #tpu.memory_space<hbm>>
      %dma_start3A_137 = tpu.memref_squeeze %dma_start3A_136 : memref<1x8x128xi32, #tpu.memory_space<hbm>> -> memref<8x128xi32, #tpu.memory_space<hbm>>
      tpu.enqueue_dma source(%dma_start3A_137 : memref<8x128xi32, #tpu.memory_space<hbm>>) target(%arg8 : memref<8x128xi32, #tpu.memory_space<vmem>>) target_semaphore(%run_scoped3A_129 : memref<!tpu.dma_semaphore, #tpu.memory_space<semaphore_mem>>)
      %dma_wait3A_138 = arith.constant 72 : i32
      %dma_wait3A_139 = arith.constant 0 : i32
      %dma_wait3A_140 = tpu.memref_slice %arg4[%arg1, %dma_wait3A_138, %dma_wait3A_139] : memref<16x80x128xi32, #tpu.memory_space<hbm>> -> memref<1x8x128xi32, #tpu.memory_space<hbm>>
      %dma_wait3A_141 = tpu.memref_squeeze %dma_wait3A_140 : memref<1x8x128xi32, #tpu.memory_space<hbm>> -> memref<8x128xi32, #tpu.memory_space<hbm>>
      %dma_wait3A_142 = arith.constant 72 : i32
      %dma_wait3A_143 = arith.constant 0 : i32
      %dma_wait3A_144 = tpu.memref_slice %arg4[%arg1, %dma_wait3A_142, %dma_wait3A_143] : memref<16x80x128xi32, #tpu.memory_space<hbm>> -> memref<1x8x128xi32, #tpu.memory_space<hbm>>
      %dma_wait3A_145 = tpu.memref_squeeze %dma_wait3A_144 : memref<1x8x128xi32, #tpu.memory_space<hbm>> -> memref<8x128xi32, #tpu.memory_space<hbm>>
      tpu.wait_dma2 semaphore(%run_scoped3A_129 : memref<!tpu.dma_semaphore, #tpu.memory_space<semaphore_mem>>) src(%dma_wait3A_145 : memref<8x128xi32, #tpu.memory_space<hbm>>) dst(%arg8 : memref<8x128xi32, #tpu.memory_space<vmem>>)
      tpu.yield
    }) : () -> ()
    %dma_wait3A = arith.constant 0 : i32
    %dma_wait3A_18 = arith.constant 0 : i32
    %dma_wait3A_19 = tpu.memref_slice %arg7[%dma_wait3A, %dma_wait3A_18] : memref<80x128xi32, #tpu.memory_space<vmem>> -> memref<1x128xi32, #tpu.memory_space<vmem>>
    %dma_wait3A_20 = tpu.memref_squeeze %dma_wait3A_19 : memref<1x128xi32, #tpu.memory_space<vmem>> -> memref<128xi32, #tpu.memory_space<vmem>>
    %dma_wait3A_21 = arith.constant 0 : i32
    %dma_wait3A_22 = arith.constant 0 : i32
    %dma_wait3A_23 = tpu.memref_slice %arg2[%dma_wait3A_21, %dma_wait3A_22] : memref<20000x128xf32, #tpu.memory_space<hbm>> -> memref<20000x128xf32, #tpu.memory_space<hbm>>
    tpu.wait_indirect_dma semaphore(%arg11 : memref<!tpu.dma_semaphore, #tpu.memory_space<semaphore_mem>>) src(%dma_wait3A_23 : memref<20000x128xf32, #tpu.memory_space<hbm>>) dst(%arg9 : memref<128x128xf32, #tpu.memory_space<vmem>>)
    %run_scoped3A = arith.constant 0 : i32
    "tpu.region"() ({
      %run_scoped3A_129 = tpu.sem_alloc : memref<!tpu.dma_semaphore, #tpu.memory_space<semaphore_mem>>
      %dma_start3A_130 = arith.constant 0 : i32
      %dma_start3A_131 = tpu.memref_slice %arg8[%run_scoped3A, %dma_start3A_130] : memref<8x128xi32, #tpu.memory_space<vmem>> -> memref<1x128xi32, #tpu.memory_space<vmem>>
      %dma_start3A_132 = tpu.memref_squeeze %dma_start3A_131 : memref<1x128xi32, #tpu.memory_space<vmem>> -> memref<128xi32, #tpu.memory_space<vmem>>
      %dma_start3A_133 = arith.constant 0 : i32
      %dma_start3A_134 = arith.constant 0 : i32
      %dma_start3A_135 = tpu.memref_slice %arg13[%dma_start3A_133, %dma_start3A_134] : memref<10112x128xf32, #tpu.memory_space<vmem_shared>> -> memref<10112x128xf32, #tpu.memory_space<vmem_shared>>
      tpu.enqueue_indirect_dma source(%arg9 : memref<128x128xf32, #tpu.memory_space<vmem>>) target(%dma_start3A_135 : memref<10112x128xf32, #tpu.memory_space<vmem_shared>>) offsets(%dma_start3A_132 : memref<128xi32, #tpu.memory_space<vmem>>) semaphore(%run_scoped3A_129 : memref<!tpu.dma_semaphore, #tpu.memory_space<semaphore_mem>>) {add = true}
      %dma_wait3A_136 = arith.constant 0 : i32
      %dma_wait3A_137 = tpu.memref_slice %arg8[%run_scoped3A, %dma_wait3A_136] : memref<8x128xi32, #tpu.memory_space<vmem>> -> memref<1x128xi32, #tpu.memory_space<vmem>>
      %dma_wait3A_138 = tpu.memref_squeeze %dma_wait3A_137 : memref<1x128xi32, #tpu.memory_space<vmem>> -> memref<128xi32, #tpu.memory_space<vmem>>
      %dma_wait3A_139 = arith.constant 0 : i32
      %dma_wait3A_140 = arith.constant 0 : i32
      %dma_wait3A_141 = tpu.memref_slice %arg13[%dma_wait3A_139, %dma_wait3A_140] : memref<10112x128xf32, #tpu.memory_space<vmem_shared>> -> memref<10112x128xf32, #tpu.memory_space<vmem_shared>>
      tpu.wait_indirect_dma semaphore(%run_scoped3A_129 : memref<!tpu.dma_semaphore, #tpu.memory_space<semaphore_mem>>) src(%arg9 : memref<128x128xf32, #tpu.memory_space<vmem>>) dst(%dma_wait3A_141 : memref<10112x128xf32, #tpu.memory_space<vmem_shared>>)
      tpu.yield
    }) : () -> ()
    %dma_start3A_24 = arith.constant 74 : i32
    %dma_start3A_25 = arith.constant 0 : i32
    %dma_start3A_26 = tpu.memref_slice %arg7[%dma_start3A_24, %dma_start3A_25] : memref<80x128xi32, #tpu.memory_space<vmem>> -> memref<1x128xi32, #tpu.memory_space<vmem>>
    %dma_start3A_27 = tpu.memref_squeeze %dma_start3A_26 : memref<1x128xi32, #tpu.memory_space<vmem>> -> memref<128xi32, #tpu.memory_space<vmem>>
    %dma_start3A_28 = arith.constant 0 : i32
    %dma_start3A_29 = arith.constant 0 : i32
    %dma_start3A_30 = tpu.memref_slice %arg2[%dma_start3A_28, %dma_start3A_29] : memref<20000x128xf32, #tpu.memory_space<hbm>> -> memref<20000x128xf32, #tpu.memory_space<hbm>>
    tpu.enqueue_indirect_dma source(%dma_start3A_30 : memref<20000x128xf32, #tpu.memory_space<hbm>>) target(%arg9 : memref<128x128xf32, #tpu.memory_space<vmem>>) offsets(%dma_start3A_27 : memref<128xi32, #tpu.memory_space<vmem>>) semaphore(%arg11 : memref<!tpu.dma_semaphore, #tpu.memory_space<semaphore_mem>>)
    %dma_wait3A_31 = arith.constant 0 : i32
    %dma_wait3A_32 = arith.constant 0 : i32
    %dma_wait3A_33 = tpu.memref_slice %arg7[%dma_wait3A_31, %dma_wait3A_32] : memref<80x128xi32, #tpu.memory_space<vmem>> -> memref<1x128xi32, #tpu.memory_space<vmem>>
    %dma_wait3A_34 = tpu.memref_squeeze %dma_wait3A_33 : memref<1x128xi32, #tpu.memory_space<vmem>> -> memref<128xi32, #tpu.memory_space<vmem>>
    %dma_wait3A_35 = arith.constant 0 : i32
    %dma_wait3A_36 = arith.constant 0 : i32
    %dma_wait3A_37 = tpu.memref_slice %arg2[%dma_wait3A_35, %dma_wait3A_36] : memref<20000x128xf32, #tpu.memory_space<hbm>> -> memref<20000x128xf32, #tpu.memory_space<hbm>>
    tpu.wait_indirect_dma semaphore(%arg12 : memref<!tpu.dma_semaphore, #tpu.memory_space<semaphore_mem>>) src(%dma_wait3A_37 : memref<20000x128xf32, #tpu.memory_space<hbm>>) dst(%arg10 : memref<128x128xf32, #tpu.memory_space<vmem>>)
    %run_scoped3A_38 = arith.constant 1 : i32
    "tpu.region"() ({
      %run_scoped3A_129 = tpu.sem_alloc : memref<!tpu.dma_semaphore, #tpu.memory_space<semaphore_mem>>
      %dma_start3A_130 = arith.constant 0 : i32
      %dma_start3A_131 = tpu.memref_slice %arg8[%run_scoped3A_38, %dma_start3A_130] : memref<8x128xi32, #tpu.memory_space<vmem>> -> memref<1x128xi32, #tpu.memory_space<vmem>>
      %dma_start3A_132 = tpu.memref_squeeze %dma_start3A_131 : memref<1x128xi32, #tpu.memory_space<vmem>> -> memref<128xi32, #tpu.memory_space<vmem>>
      %dma_start3A_133 = arith.constant 0 : i32
      %dma_start3A_134 = arith.constant 0 : i32
      %dma_start3A_135 = tpu.memref_slice %arg13[%dma_start3A_133, %dma_start3A_134] : memref<10112x128xf32, #tpu.memory_space<vmem_shared>> -> memref<10112x128xf32, #tpu.memory_space<vmem_shared>>
      tpu.enqueue_indirect_dma source(%arg10 : memref<128x128xf32, #tpu.memory_space<vmem>>) target(%dma_start3A_135 : memref<10112x128xf32, #tpu.memory_space<vmem_shared>>) offsets(%dma_start3A_132 : memref<128xi32, #tpu.memory_space<vmem>>) semaphore(%run_scoped3A_129 : memref<!tpu.dma_semaphore, #tpu.memory_space<semaphore_mem>>) {add = true}
      %dma_wait3A_136 = arith.constant 0 : i32
      %dma_wait3A_137 = tpu.memref_slice %arg8[%run_scoped3A_38, %dma_wait3A_136] : memref<8x128xi32, #tpu.memory_space<vmem>> -> memref<1x128xi32, #tpu.memory_space<vmem>>
      %dma_wait3A_138 = tpu.memref_squeeze %dma_wait3A_137 : memref<1x128xi32, #tpu.memory_space<vmem>> -> memref<128xi32, #tpu.memory_space<vmem>>
      %dma_wait3A_139 = arith.constant 0 : i32
      %dma_wait3A_140 = arith.constant 0 : i32
      %dma_wait3A_141 = tpu.memref_slice %arg13[%dma_wait3A_139, %dma_wait3A_140] : memref<10112x128xf32, #tpu.memory_space<vmem_shared>> -> memref<10112x128xf32, #tpu.memory_space<vmem_shared>>
      tpu.wait_indirect_dma semaphore(%run_scoped3A_129 : memref<!tpu.dma_semaphore, #tpu.memory_space<semaphore_mem>>) src(%arg10 : memref<128x128xf32, #tpu.memory_space<vmem>>) dst(%dma_wait3A_141 : memref<10112x128xf32, #tpu.memory_space<vmem_shared>>)
      tpu.yield
    }) : () -> ()
    %dma_start3A_39 = arith.constant 75 : i32
    %dma_start3A_40 = arith.constant 0 : i32
    %dma_start3A_41 = tpu.memref_slice %arg7[%dma_start3A_39, %dma_start3A_40] : memref<80x128xi32, #tpu.memory_space<vmem>> -> memref<1x128xi32, #tpu.memory_space<vmem>>
    %dma_start3A_42 = tpu.memref_squeeze %dma_start3A_41 : memref<1x128xi32, #tpu.memory_space<vmem>> -> memref<128xi32, #tpu.memory_space<vmem>>
    %dma_start3A_43 = arith.constant 0 : i32
    %dma_start3A_44 = arith.constant 0 : i32
    %dma_start3A_45 = tpu.memref_slice %arg2[%dma_start3A_43, %dma_start3A_44] : memref<20000x128xf32, #tpu.memory_space<hbm>> -> memref<20000x128xf32, #tpu.memory_space<hbm>>
    tpu.enqueue_indirect_dma source(%dma_start3A_45 : memref<20000x128xf32, #tpu.memory_space<hbm>>) target(%arg10 : memref<128x128xf32, #tpu.memory_space<vmem>>) offsets(%dma_start3A_42 : memref<128xi32, #tpu.memory_space<vmem>>) semaphore(%arg12 : memref<!tpu.dma_semaphore, #tpu.memory_space<semaphore_mem>>)
    %dma_wait3A_46 = arith.constant 0 : i32
    %dma_wait3A_47 = arith.constant 0 : i32
    %dma_wait3A_48 = tpu.memref_slice %arg7[%dma_wait3A_46, %dma_wait3A_47] : memref<80x128xi32, #tpu.memory_space<vmem>> -> memref<1x128xi32, #tpu.memory_space<vmem>>
    %dma_wait3A_49 = tpu.memref_squeeze %dma_wait3A_48 : memref<1x128xi32, #tpu.memory_space<vmem>> -> memref<128xi32, #tpu.memory_space<vmem>>
    %dma_wait3A_50 = arith.constant 0 : i32
    %dma_wait3A_51 = arith.constant 0 : i32
    %dma_wait3A_52 = tpu.memref_slice %arg2[%dma_wait3A_50, %dma_wait3A_51] : memref<20000x128xf32, #tpu.memory_space<hbm>> -> memref<20000x128xf32, #tpu.memory_space<hbm>>
    tpu.wait_indirect_dma semaphore(%arg11 : memref<!tpu.dma_semaphore, #tpu.memory_space<semaphore_mem>>) src(%dma_wait3A_52 : memref<20000x128xf32, #tpu.memory_space<hbm>>) dst(%arg9 : memref<128x128xf32, #tpu.memory_space<vmem>>)
    %run_scoped3A_53 = arith.constant 2 : i32
    "tpu.region"() ({
      %run_scoped3A_129 = tpu.sem_alloc : memref<!tpu.dma_semaphore, #tpu.memory_space<semaphore_mem>>
      %dma_start3A_130 = arith.constant 0 : i32
      %dma_start3A_131 = tpu.memref_slice %arg8[%run_scoped3A_53, %dma_start3A_130] : memref<8x128xi32, #tpu.memory_space<vmem>> -> memref<1x128xi32, #tpu.memory_space<vmem>>
      %dma_start3A_132 = tpu.memref_squeeze %dma_start3A_131 : memref<1x128xi32, #tpu.memory_space<vmem>> -> memref<128xi32, #tpu.memory_space<vmem>>
      %dma_start3A_133 = arith.constant 0 : i32
      %dma_start3A_134 = arith.constant 0 : i32
      %dma_start3A_135 = tpu.memref_slice %arg13[%dma_start3A_133, %dma_start3A_134] : memref<10112x128xf32, #tpu.memory_space<vmem_shared>> -> memref<10112x128xf32, #tpu.memory_space<vmem_shared>>
      tpu.enqueue_indirect_dma source(%arg9 : memref<128x128xf32, #tpu.memory_space<vmem>>) target(%dma_start3A_135 : memref<10112x128xf32, #tpu.memory_space<vmem_shared>>) offsets(%dma_start3A_132 : memref<128xi32, #tpu.memory_space<vmem>>) semaphore(%run_scoped3A_129 : memref<!tpu.dma_semaphore, #tpu.memory_space<semaphore_mem>>) {add = true}
      %dma_wait3A_136 = arith.constant 0 : i32
      %dma_wait3A_137 = tpu.memref_slice %arg8[%run_scoped3A_53, %dma_wait3A_136] : memref<8x128xi32, #tpu.memory_space<vmem>> -> memref<1x128xi32, #tpu.memory_space<vmem>>
      %dma_wait3A_138 = tpu.memref_squeeze %dma_wait3A_137 : memref<1x128xi32, #tpu.memory_space<vmem>> -> memref<128xi32, #tpu.memory_space<vmem>>
      %dma_wait3A_139 = arith.constant 0 : i32
      %dma_wait3A_140 = arith.constant 0 : i32
      %dma_wait3A_141 = tpu.memref_slice %arg13[%dma_wait3A_139, %dma_wait3A_140] : memref<10112x128xf32, #tpu.memory_space<vmem_shared>> -> memref<10112x128xf32, #tpu.memory_space<vmem_shared>>
      tpu.wait_indirect_dma semaphore(%run_scoped3A_129 : memref<!tpu.dma_semaphore, #tpu.memory_space<semaphore_mem>>) src(%arg9 : memref<128x128xf32, #tpu.memory_space<vmem>>) dst(%dma_wait3A_141 : memref<10112x128xf32, #tpu.memory_space<vmem_shared>>)
      tpu.yield
    }) : () -> ()
    %dma_start3A_54 = arith.constant 76 : i32
    %dma_start3A_55 = arith.constant 0 : i32
    %dma_start3A_56 = tpu.memref_slice %arg7[%dma_start3A_54, %dma_start3A_55] : memref<80x128xi32, #tpu.memory_space<vmem>> -> memref<1x128xi32, #tpu.memory_space<vmem>>
    %dma_start3A_57 = tpu.memref_squeeze %dma_start3A_56 : memref<1x128xi32, #tpu.memory_space<vmem>> -> memref<128xi32, #tpu.memory_space<vmem>>
    %dma_start3A_58 = arith.constant 0 : i32
    %dma_start3A_59 = arith.constant 0 : i32
    %dma_start3A_60 = tpu.memref_slice %arg2[%dma_start3A_58, %dma_start3A_59] : memref<20000x128xf32, #tpu.memory_space<hbm>> -> memref<20000x128xf32, #tpu.memory_space<hbm>>
    tpu.enqueue_indirect_dma source(%dma_start3A_60 : memref<20000x128xf32, #tpu.memory_space<hbm>>) target(%arg9 : memref<128x128xf32, #tpu.memory_space<vmem>>) offsets(%dma_start3A_57 : memref<128xi32, #tpu.memory_space<vmem>>) semaphore(%arg11 : memref<!tpu.dma_semaphore, #tpu.memory_space<semaphore_mem>>)
    %dma_wait3A_61 = arith.constant 0 : i32
    %dma_wait3A_62 = arith.constant 0 : i32
    %dma_wait3A_63 = tpu.memref_slice %arg7[%dma_wait3A_61, %dma_wait3A_62] : memref<80x128xi32, #tpu.memory_space<vmem>> -> memref<1x128xi32, #tpu.memory_space<vmem>>
    %dma_wait3A_64 = tpu.memref_squeeze %dma_wait3A_63 : memref<1x128xi32, #tpu.memory_space<vmem>> -> memref<128xi32, #tpu.memory_space<vmem>>
    %dma_wait3A_65 = arith.constant 0 : i32
    %dma_wait3A_66 = arith.constant 0 : i32
    %dma_wait3A_67 = tpu.memref_slice %arg2[%dma_wait3A_65, %dma_wait3A_66] : memref<20000x128xf32, #tpu.memory_space<hbm>> -> memref<20000x128xf32, #tpu.memory_space<hbm>>
    tpu.wait_indirect_dma semaphore(%arg12 : memref<!tpu.dma_semaphore, #tpu.memory_space<semaphore_mem>>) src(%dma_wait3A_67 : memref<20000x128xf32, #tpu.memory_space<hbm>>) dst(%arg10 : memref<128x128xf32, #tpu.memory_space<vmem>>)
    %run_scoped3A_68 = arith.constant 3 : i32
    "tpu.region"() ({
      %run_scoped3A_129 = tpu.sem_alloc : memref<!tpu.dma_semaphore, #tpu.memory_space<semaphore_mem>>
      %dma_start3A_130 = arith.constant 0 : i32
      %dma_start3A_131 = tpu.memref_slice %arg8[%run_scoped3A_68, %dma_start3A_130] : memref<8x128xi32, #tpu.memory_space<vmem>> -> memref<1x128xi32, #tpu.memory_space<vmem>>
      %dma_start3A_132 = tpu.memref_squeeze %dma_start3A_131 : memref<1x128xi32, #tpu.memory_space<vmem>> -> memref<128xi32, #tpu.memory_space<vmem>>
      %dma_start3A_133 = arith.constant 0 : i32
      %dma_start3A_134 = arith.constant 0 : i32
      %dma_start3A_135 = tpu.memref_slice %arg13[%dma_start3A_133, %dma_start3A_134] : memref<10112x128xf32, #tpu.memory_space<vmem_shared>> -> memref<10112x128xf32, #tpu.memory_space<vmem_shared>>
      tpu.enqueue_indirect_dma source(%arg10 : memref<128x128xf32, #tpu.memory_space<vmem>>) target(%dma_start3A_135 : memref<10112x128xf32, #tpu.memory_space<vmem_shared>>) offsets(%dma_start3A_132 : memref<128xi32, #tpu.memory_space<vmem>>) semaphore(%run_scoped3A_129 : memref<!tpu.dma_semaphore, #tpu.memory_space<semaphore_mem>>) {add = true}
      %dma_wait3A_136 = arith.constant 0 : i32
      %dma_wait3A_137 = tpu.memref_slice %arg8[%run_scoped3A_68, %dma_wait3A_136] : memref<8x128xi32, #tpu.memory_space<vmem>> -> memref<1x128xi32, #tpu.memory_space<vmem>>
      %dma_wait3A_138 = tpu.memref_squeeze %dma_wait3A_137 : memref<1x128xi32, #tpu.memory_space<vmem>> -> memref<128xi32, #tpu.memory_space<vmem>>
      %dma_wait3A_139 = arith.constant 0 : i32
      %dma_wait3A_140 = arith.constant 0 : i32
      %dma_wait3A_141 = tpu.memref_slice %arg13[%dma_wait3A_139, %dma_wait3A_140] : memref<10112x128xf32, #tpu.memory_space<vmem_shared>> -> memref<10112x128xf32, #tpu.memory_space<vmem_shared>>
      tpu.wait_indirect_dma semaphore(%run_scoped3A_129 : memref<!tpu.dma_semaphore, #tpu.memory_space<semaphore_mem>>) src(%arg10 : memref<128x128xf32, #tpu.memory_space<vmem>>) dst(%dma_wait3A_141 : memref<10112x128xf32, #tpu.memory_space<vmem_shared>>)
      tpu.yield
    }) : () -> ()
    %dma_start3A_69 = arith.constant 77 : i32
    %dma_start3A_70 = arith.constant 0 : i32
    %dma_start3A_71 = tpu.memref_slice %arg7[%dma_start3A_69, %dma_start3A_70] : memref<80x128xi32, #tpu.memory_space<vmem>> -> memref<1x128xi32, #tpu.memory_space<vmem>>
    %dma_start3A_72 = tpu.memref_squeeze %dma_start3A_71 : memref<1x128xi32, #tpu.memory_space<vmem>> -> memref<128xi32, #tpu.memory_space<vmem>>
    %dma_start3A_73 = arith.constant 0 : i32
    %dma_start3A_74 = arith.constant 0 : i32
    %dma_start3A_75 = tpu.memref_slice %arg2[%dma_start3A_73, %dma_start3A_74] : memref<20000x128xf32, #tpu.memory_space<hbm>> -> memref<20000x128xf32, #tpu.memory_space<hbm>>
    tpu.enqueue_indirect_dma source(%dma_start3A_75 : memref<20000x128xf32, #tpu.memory_space<hbm>>) target(%arg10 : memref<128x128xf32, #tpu.memory_space<vmem>>) offsets(%dma_start3A_72 : memref<128xi32, #tpu.memory_space<vmem>>) semaphore(%arg12 : memref<!tpu.dma_semaphore, #tpu.memory_space<semaphore_mem>>)
    %dma_wait3A_76 = arith.constant 0 : i32
    %dma_wait3A_77 = arith.constant 0 : i32
    %dma_wait3A_78 = tpu.memref_slice %arg7[%dma_wait3A_76, %dma_wait3A_77] : memref<80x128xi32, #tpu.memory_space<vmem>> -> memref<1x128xi32, #tpu.memory_space<vmem>>
    %dma_wait3A_79 = tpu.memref_squeeze %dma_wait3A_78 : memref<1x128xi32, #tpu.memory_space<vmem>> -> memref<128xi32, #tpu.memory_space<vmem>>
    %dma_wait3A_80 = arith.constant 0 : i32
    %dma_wait3A_81 = arith.constant 0 : i32
    %dma_wait3A_82 = tpu.memref_slice %arg2[%dma_wait3A_80, %dma_wait3A_81] : memref<20000x128xf32, #tpu.memory_space<hbm>> -> memref<20000x128xf32, #tpu.memory_space<hbm>>
    tpu.wait_indirect_dma semaphore(%arg11 : memref<!tpu.dma_semaphore, #tpu.memory_space<semaphore_mem>>) src(%dma_wait3A_82 : memref<20000x128xf32, #tpu.memory_space<hbm>>) dst(%arg9 : memref<128x128xf32, #tpu.memory_space<vmem>>)
    %run_scoped3A_83 = arith.constant 4 : i32
    "tpu.region"() ({
      %run_scoped3A_129 = tpu.sem_alloc : memref<!tpu.dma_semaphore, #tpu.memory_space<semaphore_mem>>
      %dma_start3A_130 = arith.constant 0 : i32
      %dma_start3A_131 = tpu.memref_slice %arg8[%run_scoped3A_83, %dma_start3A_130] : memref<8x128xi32, #tpu.memory_space<vmem>> -> memref<1x128xi32, #tpu.memory_space<vmem>>
      %dma_start3A_132 = tpu.memref_squeeze %dma_start3A_131 : memref<1x128xi32, #tpu.memory_space<vmem>> -> memref<128xi32, #tpu.memory_space<vmem>>
      %dma_start3A_133 = arith.constant 0 : i32
      %dma_start3A_134 = arith.constant 0 : i32
      %dma_start3A_135 = tpu.memref_slice %arg13[%dma_start3A_133, %dma_start3A_134] : memref<10112x128xf32, #tpu.memory_space<vmem_shared>> -> memref<10112x128xf32, #tpu.memory_space<vmem_shared>>
      tpu.enqueue_indirect_dma source(%arg9 : memref<128x128xf32, #tpu.memory_space<vmem>>) target(%dma_start3A_135 : memref<10112x128xf32, #tpu.memory_space<vmem_shared>>) offsets(%dma_start3A_132 : memref<128xi32, #tpu.memory_space<vmem>>) semaphore(%run_scoped3A_129 : memref<!tpu.dma_semaphore, #tpu.memory_space<semaphore_mem>>) {add = true}
      %dma_wait3A_136 = arith.constant 0 : i32
      %dma_wait3A_137 = tpu.memref_slice %arg8[%run_scoped3A_83, %dma_wait3A_136] : memref<8x128xi32, #tpu.memory_space<vmem>> -> memref<1x128xi32, #tpu.memory_space<vmem>>
      %dma_wait3A_138 = tpu.memref_squeeze %dma_wait3A_137 : memref<1x128xi32, #tpu.memory_space<vmem>> -> memref<128xi32, #tpu.memory_space<vmem>>
      %dma_wait3A_139 = arith.constant 0 : i32
      %dma_wait3A_140 = arith.constant 0 : i32
      %dma_wait3A_141 = tpu.memref_slice %arg13[%dma_wait3A_139, %dma_wait3A_140] : memref<10112x128xf32, #tpu.memory_space<vmem_shared>> -> memref<10112x128xf32, #tpu.memory_space<vmem_shared>>
      tpu.wait_indirect_dma semaphore(%run_scoped3A_129 : memref<!tpu.dma_semaphore, #tpu.memory_space<semaphore_mem>>) src(%arg9 : memref<128x128xf32, #tpu.memory_space<vmem>>) dst(%dma_wait3A_141 : memref<10112x128xf32, #tpu.memory_space<vmem_shared>>)
      tpu.yield
    }) : () -> ()
    %dma_start3A_84 = arith.constant 78 : i32
    %dma_start3A_85 = arith.constant 0 : i32
    %dma_start3A_86 = tpu.memref_slice %arg7[%dma_start3A_84, %dma_start3A_85] : memref<80x128xi32, #tpu.memory_space<vmem>> -> memref<1x128xi32, #tpu.memory_space<vmem>>
    %dma_start3A_87 = tpu.memref_squeeze %dma_start3A_86 : memref<1x128xi32, #tpu.memory_space<vmem>> -> memref<128xi32, #tpu.memory_space<vmem>>
    %dma_start3A_88 = arith.constant 0 : i32
    %dma_start3A_89 = arith.constant 0 : i32
    %dma_start3A_90 = tpu.memref_slice %arg2[%dma_start3A_88, %dma_start3A_89] : memref<20000x128xf32, #tpu.memory_space<hbm>> -> memref<20000x128xf32, #tpu.memory_space<hbm>>
    tpu.enqueue_indirect_dma source(%dma_start3A_90 : memref<20000x128xf32, #tpu.memory_space<hbm>>) target(%arg9 : memref<128x128xf32, #tpu.memory_space<vmem>>) offsets(%dma_start3A_87 : memref<128xi32, #tpu.memory_space<vmem>>) semaphore(%arg11 : memref<!tpu.dma_semaphore, #tpu.memory_space<semaphore_mem>>)
    %dma_wait3A_91 = arith.constant 0 : i32
    %dma_wait3A_92 = arith.constant 0 : i32
    %dma_wait3A_93 = tpu.memref_slice %arg7[%dma_wait3A_91, %dma_wait3A_92] : memref<80x128xi32, #tpu.memory_space<vmem>> -> memref<1x128xi32, #tpu.memory_space<vmem>>
    %dma_wait3A_94 = tpu.memref_squeeze %dma_wait3A_93 : memref<1x128xi32, #tpu.memory_space<vmem>> -> memref<128xi32, #tpu.memory_space<vmem>>
    %dma_wait3A_95 = arith.constant 0 : i32
    %dma_wait3A_96 = arith.constant 0 : i32
    %dma_wait3A_97 = tpu.memref_slice %arg2[%dma_wait3A_95, %dma_wait3A_96] : memref<20000x128xf32, #tpu.memory_space<hbm>> -> memref<20000x128xf32, #tpu.memory_space<hbm>>
    tpu.wait_indirect_dma semaphore(%arg12 : memref<!tpu.dma_semaphore, #tpu.memory_space<semaphore_mem>>) src(%dma_wait3A_97 : memref<20000x128xf32, #tpu.memory_space<hbm>>) dst(%arg10 : memref<128x128xf32, #tpu.memory_space<vmem>>)
    %run_scoped3A_98 = arith.constant 5 : i32
    "tpu.region"() ({
      %run_scoped3A_129 = tpu.sem_alloc : memref<!tpu.dma_semaphore, #tpu.memory_space<semaphore_mem>>
      %dma_start3A_130 = arith.constant 0 : i32
      %dma_start3A_131 = tpu.memref_slice %arg8[%run_scoped3A_98, %dma_start3A_130] : memref<8x128xi32, #tpu.memory_space<vmem>> -> memref<1x128xi32, #tpu.memory_space<vmem>>
      %dma_start3A_132 = tpu.memref_squeeze %dma_start3A_131 : memref<1x128xi32, #tpu.memory_space<vmem>> -> memref<128xi32, #tpu.memory_space<vmem>>
      %dma_start3A_133 = arith.constant 0 : i32
      %dma_start3A_134 = arith.constant 0 : i32
      %dma_start3A_135 = tpu.memref_slice %arg13[%dma_start3A_133, %dma_start3A_134] : memref<10112x128xf32, #tpu.memory_space<vmem_shared>> -> memref<10112x128xf32, #tpu.memory_space<vmem_shared>>
      tpu.enqueue_indirect_dma source(%arg10 : memref<128x128xf32, #tpu.memory_space<vmem>>) target(%dma_start3A_135 : memref<10112x128xf32, #tpu.memory_space<vmem_shared>>) offsets(%dma_start3A_132 : memref<128xi32, #tpu.memory_space<vmem>>) semaphore(%run_scoped3A_129 : memref<!tpu.dma_semaphore, #tpu.memory_space<semaphore_mem>>) {add = true}
      %dma_wait3A_136 = arith.constant 0 : i32
      %dma_wait3A_137 = tpu.memref_slice %arg8[%run_scoped3A_98, %dma_wait3A_136] : memref<8x128xi32, #tpu.memory_space<vmem>> -> memref<1x128xi32, #tpu.memory_space<vmem>>
      %dma_wait3A_138 = tpu.memref_squeeze %dma_wait3A_137 : memref<1x128xi32, #tpu.memory_space<vmem>> -> memref<128xi32, #tpu.memory_space<vmem>>
      %dma_wait3A_139 = arith.constant 0 : i32
      %dma_wait3A_140 = arith.constant 0 : i32
      %dma_wait3A_141 = tpu.memref_slice %arg13[%dma_wait3A_139, %dma_wait3A_140] : memref<10112x128xf32, #tpu.memory_space<vmem_shared>> -> memref<10112x128xf32, #tpu.memory_space<vmem_shared>>
      tpu.wait_indirect_dma semaphore(%run_scoped3A_129 : memref<!tpu.dma_semaphore, #tpu.memory_space<semaphore_mem>>) src(%arg10 : memref<128x128xf32, #tpu.memory_space<vmem>>) dst(%dma_wait3A_141 : memref<10112x128xf32, #tpu.memory_space<vmem_shared>>)
      tpu.yield
    }) : () -> ()
    %dma_start3A_99 = arith.constant 79 : i32
    %dma_start3A_100 = arith.constant 0 : i32
    %dma_start3A_101 = tpu.memref_slice %arg7[%dma_start3A_99, %dma_start3A_100] : memref<80x128xi32, #tpu.memory_space<vmem>> -> memref<1x128xi32, #tpu.memory_space<vmem>>
    %dma_start3A_102 = tpu.memref_squeeze %dma_start3A_101 : memref<1x128xi32, #tpu.memory_space<vmem>> -> memref<128xi32, #tpu.memory_space<vmem>>
    %dma_start3A_103 = arith.constant 0 : i32
    %dma_start3A_104 = arith.constant 0 : i32
    %dma_start3A_105 = tpu.memref_slice %arg2[%dma_start3A_103, %dma_start3A_104] : memref<20000x128xf32, #tpu.memory_space<hbm>> -> memref<20000x128xf32, #tpu.memory_space<hbm>>
    tpu.enqueue_indirect_dma source(%dma_start3A_105 : memref<20000x128xf32, #tpu.memory_space<hbm>>) target(%arg10 : memref<128x128xf32, #tpu.memory_space<vmem>>) offsets(%dma_start3A_102 : memref<128xi32, #tpu.memory_space<vmem>>) semaphore(%arg12 : memref<!tpu.dma_semaphore, #tpu.memory_space<semaphore_mem>>)
    %dma_wait3A_106 = arith.constant 0 : i32
    %dma_wait3A_107 = arith.constant 0 : i32
    %dma_wait3A_108 = tpu.memref_slice %arg7[%dma_wait3A_106, %dma_wait3A_107] : memref<80x128xi32, #tpu.memory_space<vmem>> -> memref<1x128xi32, #tpu.memory_space<vmem>>
    %dma_wait3A_109 = tpu.memref_squeeze %dma_wait3A_108 : memref<1x128xi32, #tpu.memory_space<vmem>> -> memref<128xi32, #tpu.memory_space<vmem>>
    %dma_wait3A_110 = arith.constant 0 : i32
    %dma_wait3A_111 = arith.constant 0 : i32
    %dma_wait3A_112 = tpu.memref_slice %arg2[%dma_wait3A_110, %dma_wait3A_111] : memref<20000x128xf32, #tpu.memory_space<hbm>> -> memref<20000x128xf32, #tpu.memory_space<hbm>>
    tpu.wait_indirect_dma semaphore(%arg11 : memref<!tpu.dma_semaphore, #tpu.memory_space<semaphore_mem>>) src(%dma_wait3A_112 : memref<20000x128xf32, #tpu.memory_space<hbm>>) dst(%arg9 : memref<128x128xf32, #tpu.memory_space<vmem>>)
    %run_scoped3A_113 = arith.constant 6 : i32
    "tpu.region"() ({
      %run_scoped3A_129 = tpu.sem_alloc : memref<!tpu.dma_semaphore, #tpu.memory_space<semaphore_mem>>
      %dma_start3A_130 = arith.constant 0 : i32
      %dma_start3A_131 = tpu.memref_slice %arg8[%run_scoped3A_113, %dma_start3A_130] : memref<8x128xi32, #tpu.memory_space<vmem>> -> memref<1x128xi32, #tpu.memory_space<vmem>>
      %dma_start3A_132 = tpu.memref_squeeze %dma_start3A_131 : memref<1x128xi32, #tpu.memory_space<vmem>> -> memref<128xi32, #tpu.memory_space<vmem>>
      %dma_start3A_133 = arith.constant 0 : i32
      %dma_start3A_134 = arith.constant 0 : i32
      %dma_start3A_135 = tpu.memref_slice %arg13[%dma_start3A_133, %dma_start3A_134] : memref<10112x128xf32, #tpu.memory_space<vmem_shared>> -> memref<10112x128xf32, #tpu.memory_space<vmem_shared>>
      tpu.enqueue_indirect_dma source(%arg9 : memref<128x128xf32, #tpu.memory_space<vmem>>) target(%dma_start3A_135 : memref<10112x128xf32, #tpu.memory_space<vmem_shared>>) offsets(%dma_start3A_132 : memref<128xi32, #tpu.memory_space<vmem>>) semaphore(%run_scoped3A_129 : memref<!tpu.dma_semaphore, #tpu.memory_space<semaphore_mem>>) {add = true}
      %dma_wait3A_136 = arith.constant 0 : i32
      %dma_wait3A_137 = tpu.memref_slice %arg8[%run_scoped3A_113, %dma_wait3A_136] : memref<8x128xi32, #tpu.memory_space<vmem>> -> memref<1x128xi32, #tpu.memory_space<vmem>>
      %dma_wait3A_138 = tpu.memref_squeeze %dma_wait3A_137 : memref<1x128xi32, #tpu.memory_space<vmem>> -> memref<128xi32, #tpu.memory_space<vmem>>
      %dma_wait3A_139 = arith.constant 0 : i32
      %dma_wait3A_140 = arith.constant 0 : i32
      %dma_wait3A_141 = tpu.memref_slice %arg13[%dma_wait3A_139, %dma_wait3A_140] : memref<10112x128xf32, #tpu.memory_space<vmem_shared>> -> memref<10112x128xf32, #tpu.memory_space<vmem_shared>>
      tpu.wait_indirect_dma semaphore(%run_scoped3A_129 : memref<!tpu.dma_semaphore, #tpu.memory_space<semaphore_mem>>) src(%arg9 : memref<128x128xf32, #tpu.memory_space<vmem>>) dst(%dma_wait3A_141 : memref<10112x128xf32, #tpu.memory_space<vmem_shared>>)
      tpu.yield
    }) : () -> ()
    %dma_wait3A_114 = arith.constant 0 : i32
    %dma_wait3A_115 = arith.constant 0 : i32
    %dma_wait3A_116 = tpu.memref_slice %arg7[%dma_wait3A_114, %dma_wait3A_115] : memref<80x128xi32, #tpu.memory_space<vmem>> -> memref<1x128xi32, #tpu.memory_space<vmem>>
    %dma_wait3A_117 = tpu.memref_squeeze %dma_wait3A_116 : memref<1x128xi32, #tpu.memory_space<vmem>> -> memref<128xi32, #tpu.memory_space<vmem>>
    %dma_wait3A_118 = arith.constant 0 : i32
    %dma_wait3A_119 = arith.constant 0 : i32
    %dma_wait3A_120 = tpu.memref_slice %arg2[%dma_wait3A_118, %dma_wait3A_119] : memref<20000x128xf32, #tpu.memory_space<hbm>> -> memref<20000x128xf32, #tpu.memory_space<hbm>>
    tpu.wait_indirect_dma semaphore(%arg12 : memref<!tpu.dma_semaphore, #tpu.memory_space<semaphore_mem>>) src(%dma_wait3A_120 : memref<20000x128xf32, #tpu.memory_space<hbm>>) dst(%arg10 : memref<128x128xf32, #tpu.memory_space<vmem>>)
    %run_scoped3A_121 = arith.constant 7 : i32
    "tpu.region"() ({
      %run_scoped3A_129 = tpu.sem_alloc : memref<!tpu.dma_semaphore, #tpu.memory_space<semaphore_mem>>
      %dma_start3A_130 = arith.constant 0 : i32
      %dma_start3A_131 = tpu.memref_slice %arg8[%run_scoped3A_121, %dma_start3A_130] : memref<8x128xi32, #tpu.memory_space<vmem>> -> memref<1x128xi32, #tpu.memory_space<vmem>>
      %dma_start3A_132 = tpu.memref_squeeze %dma_start3A_131 : memref<1x128xi32, #tpu.memory_space<vmem>> -> memref<128xi32, #tpu.memory_space<vmem>>
      %dma_start3A_133 = arith.constant 0 : i32
      %dma_start3A_134 = arith.constant 0 : i32
      %dma_start3A_135 = tpu.memref_slice %arg13[%dma_start3A_133, %dma_start3A_134] : memref<10112x128xf32, #tpu.memory_space<vmem_shared>> -> memref<10112x128xf32, #tpu.memory_space<vmem_shared>>
      tpu.enqueue_indirect_dma source(%arg10 : memref<128x128xf32, #tpu.memory_space<vmem>>) target(%dma_start3A_135 : memref<10112x128xf32, #tpu.memory_space<vmem_shared>>) offsets(%dma_start3A_132 : memref<128xi32, #tpu.memory_space<vmem>>) semaphore(%run_scoped3A_129 : memref<!tpu.dma_semaphore, #tpu.memory_space<semaphore_mem>>) {add = true}
      %dma_wait3A_136 = arith.constant 0 : i32
      %dma_wait3A_137 = tpu.memref_slice %arg8[%run_scoped3A_121, %dma_wait3A_136] : memref<8x128xi32, #tpu.memory_space<vmem>> -> memref<1x128xi32, #tpu.memory_space<vmem>>
      %dma_wait3A_138 = tpu.memref_squeeze %dma_wait3A_137 : memref<1x128xi32, #tpu.memory_space<vmem>> -> memref<128xi32, #tpu.memory_space<vmem>>
      %dma_wait3A_139 = arith.constant 0 : i32
      %dma_wait3A_140 = arith.constant 0 : i32
      %dma_wait3A_141 = tpu.memref_slice %arg13[%dma_wait3A_139, %dma_wait3A_140] : memref<10112x128xf32, #tpu.memory_space<vmem_shared>> -> memref<10112x128xf32, #tpu.memory_space<vmem_shared>>
      tpu.wait_indirect_dma semaphore(%run_scoped3A_129 : memref<!tpu.dma_semaphore, #tpu.memory_space<semaphore_mem>>) src(%arg10 : memref<128x128xf32, #tpu.memory_space<vmem>>) dst(%dma_wait3A_141 : memref<10112x128xf32, #tpu.memory_space<vmem_shared>>)
      tpu.yield
    }) : () -> ()
    %barrier3A_122 = arith.constant 0 : index
    tpu.barrier barrier_id(%barrier3A_122)
    %mul3A_123 = arith.constant 624 : i32
    %mul3A_124 = arith.muli %arg1, %mul3A_123 : i32
    %mul3A_125 = arith.constant 624 : i32
    %mul3A_126 = arith.muli %arg1, %mul3A_125 : i32
    "tpu.region"() ({
      %run_scoped3A_129 = tpu.sem_alloc : memref<!tpu.dma_semaphore, #tpu.memory_space<semaphore_mem>>
      %dma_start3A_130 = arith.constant 0 : i32
      %dma_start3A_131 = tpu.memref_slice %arg6[%arg0, %mul3A_126, %dma_start3A_130] : memref<2x10000x128xf32, #tpu.memory_space<hbm>> -> memref<1x624x128xf32, #tpu.memory_space<hbm>>
      %dma_start3A_132 = tpu.memref_squeeze %dma_start3A_131 : memref<1x624x128xf32, #tpu.memory_space<hbm>> -> memref<624x128xf32, #tpu.memory_space<hbm>>
      %dma_start3A_133 = arith.constant 0 : i32
      %dma_start3A_134 = tpu.memref_slice %arg13[%mul3A_124, %dma_start3A_133] : memref<10112x128xf32, #tpu.memory_space<vmem_shared>> -> memref<624x128xf32, #tpu.memory_space<vmem_shared>>
      tpu.enqueue_dma source(%dma_start3A_134 : memref<624x128xf32, #tpu.memory_space<vmem_shared>>) target(%dma_start3A_132 : memref<624x128xf32, #tpu.memory_space<hbm>>) target_semaphore(%run_scoped3A_129 : memref<!tpu.dma_semaphore, #tpu.memory_space<semaphore_mem>>)
      %dma_wait3A_135 = arith.constant 0 : i32
      %dma_wait3A_136 = tpu.memref_slice %arg6[%arg0, %mul3A_126, %dma_wait3A_135] : memref<2x10000x128xf32, #tpu.memory_space<hbm>> -> memref<1x624x128xf32, #tpu.memory_space<hbm>>
      %dma_wait3A_137 = tpu.memref_squeeze %dma_wait3A_136 : memref<1x624x128xf32, #tpu.memory_space<hbm>> -> memref<624x128xf32, #tpu.memory_space<hbm>>
      %dma_wait3A_138 = arith.constant 0 : i32
      %dma_wait3A_139 = tpu.memref_slice %arg13[%mul3A_124, %dma_wait3A_138] : memref<10112x128xf32, #tpu.memory_space<vmem_shared>> -> memref<624x128xf32, #tpu.memory_space<vmem_shared>>
      tpu.wait_dma2 semaphore(%run_scoped3A_129 : memref<!tpu.dma_semaphore, #tpu.memory_space<semaphore_mem>>) src(%dma_wait3A_139 : memref<624x128xf32, #tpu.memory_space<vmem_shared>>) dst(%dma_wait3A_137 : memref<624x128xf32, #tpu.memory_space<hbm>>)
      tpu.yield
    }) : () -> ()
    %eq3A = arith.constant 15 : i32
    %eq3A_127 = arith.cmpi eq, %arg1, %eq3A : i32
    %convert_element_type3A = arith.extui %eq3A_127 : i1 to i32
    %cond3A = arith.constant 0 : i32
    %cond3A_128 = arith.cmpi ne, %convert_element_type3A, %cond3A : i32
    scf.if %cond3A_128 {
      "tpu.region"() ({
        %run_scoped3A_129 = tpu.sem_alloc : memref<!tpu.dma_semaphore, #tpu.memory_space<semaphore_mem>>
        %dma_start3A_130 = arith.constant 9984 : i32
        %dma_start3A_131 = arith.constant 0 : i32
        %dma_start3A_132 = tpu.memref_slice %arg6[%arg0, %dma_start3A_130, %dma_start3A_131] : memref<2x10000x128xf32, #tpu.memory_space<hbm>> -> memref<1x16x128xf32, #tpu.memory_space<hbm>>
        %dma_start3A_133 = tpu.memref_squeeze %dma_start3A_132 : memref<1x16x128xf32, #tpu.memory_space<hbm>> -> memref<16x128xf32, #tpu.memory_space<hbm>>
        %dma_start3A_134 = arith.constant 9984 : i32
        %dma_start3A_135 = arith.constant 0 : i32
        %dma_start3A_136 = tpu.memref_slice %arg13[%dma_start3A_134, %dma_start3A_135] : memref<10112x128xf32, #tpu.memory_space<vmem_shared>> -> memref<16x128xf32, #tpu.memory_space<vmem_shared>>
        tpu.enqueue_dma source(%dma_start3A_136 : memref<16x128xf32, #tpu.memory_space<vmem_shared>>) target(%dma_start3A_133 : memref<16x128xf32, #tpu.memory_space<hbm>>) target_semaphore(%run_scoped3A_129 : memref<!tpu.dma_semaphore, #tpu.memory_space<semaphore_mem>>)
        %dma_wait3A_137 = arith.constant 9984 : i32
        %dma_wait3A_138 = arith.constant 0 : i32
        %dma_wait3A_139 = tpu.memref_slice %arg6[%arg0, %dma_wait3A_137, %dma_wait3A_138] : memref<2x10000x128xf32, #tpu.memory_space<hbm>> -> memref<1x16x128xf32, #tpu.memory_space<hbm>>
        %dma_wait3A_140 = tpu.memref_squeeze %dma_wait3A_139 : memref<1x16x128xf32, #tpu.memory_space<hbm>> -> memref<16x128xf32, #tpu.memory_space<hbm>>
        %dma_wait3A_141 = arith.constant 9984 : i32
        %dma_wait3A_142 = arith.constant 0 : i32
        %dma_wait3A_143 = tpu.memref_slice %arg13[%dma_wait3A_141, %dma_wait3A_142] : memref<10112x128xf32, #tpu.memory_space<vmem_shared>> -> memref<16x128xf32, #tpu.memory_space<vmem_shared>>
        tpu.wait_dma2 semaphore(%run_scoped3A_129 : memref<!tpu.dma_semaphore, #tpu.memory_space<semaphore_mem>>) src(%dma_wait3A_143 : memref<16x128xf32, #tpu.memory_space<vmem_shared>>) dst(%dma_wait3A_140 : memref<16x128xf32, #tpu.memory_space<hbm>>)
        tpu.yield
      }) : () -> ()
    } else {
    }
    return
  }
}

module attributes {stable_mosaic.version = 14 : i64} {
  func.func @_tc_linear_body(%arg0: i32, %arg1: memref<1x1000x128xf32, #tpu.memory_space<vmem>>, %arg2: memref<1x1000x128xf32, #tpu.memory_space<vmem>>, %arg3: memref<256x128xf32, #tpu.memory_space<vmem>>, %arg4: memref<256x128xf32, #tpu.memory_space<vmem>>, %arg5: memref<1x256xf32, #tpu.memory_space<vmem>>, %arg6: memref<1000x256xf32, #tpu.memory_space<vmem>>) attributes {dimension_semantics = [#tpu.dimension_semantics<arbitrary>], iteration_bounds = array<i64: 10>, scalar_prefetch = 0 : i64, scratch_operands = 0 : i64, tpu.core_type = #tpu.core_type<tc>, window_params = [{transform_indices = @transform_0, window_bounds = array<i64: 1, 1000, 128>}, {transform_indices = @transform_1, window_bounds = array<i64: 1, 1000, 128>}, {pipeline_mode = #tpu.pipeline_mode<synchronous>, transform_indices = @transform_2, window_bounds = array<i64: 256, 128>}, {pipeline_mode = #tpu.pipeline_mode<synchronous>, transform_indices = @transform_3, window_bounds = array<i64: 256, 128>}, {pipeline_mode = #tpu.pipeline_mode<synchronous>, transform_indices = @transform_4, window_bounds = array<i64: 1, 256>}, {transform_indices = @transform_5, window_bounds = array<i64: 1000, 256>}]} {
    %get3A = arith.constant 0 : index
    %get3A_0 = arith.constant 0 : index
    %get3A_1 = arith.constant 0 : index
    %get3A_2 = vector.load %arg1[%get3A, %get3A_0, %get3A_1] : memref<1x1000x128xf32, #tpu.memory_space<vmem>>, vector<1x1000x128xf32>
    %get3A_3 = vector.shape_cast %get3A_2 : vector<1x1000x128xf32> to vector<1000x128xf32>
    %get3A_4 = arith.constant 0 : index
    %get3A_5 = arith.constant 0 : index
    %get3A_6 = vector.load %arg3[%get3A_4, %get3A_5] : memref<256x128xf32, #tpu.memory_space<vmem>>, vector<256x128xf32>
    %dot_general3A = arith.constant dense<0.000000e+00> : vector<1000x256xf32>
    %dot_general3A_7 = tpu.matmul %get3A_3, %get3A_6, %dot_general3A {dimension_numbers = #tpu.dot_dimension_numbers<[1], [1], [0], [0], [0, 0, 1, 0], [], []>, transpose_lhs_hint = false} : vector<1000x128xf32>, vector<256x128xf32>, vector<1000x256xf32> -> vector<1000x256xf32>
    %get3A_8 = arith.constant 0 : index
    %get3A_9 = arith.constant 0 : index
    %get3A_10 = arith.constant 0 : index
    %get3A_11 = vector.load %arg2[%get3A_8, %get3A_9, %get3A_10] : memref<1x1000x128xf32, #tpu.memory_space<vmem>>, vector<1x1000x128xf32>
    %get3A_12 = vector.shape_cast %get3A_11 : vector<1x1000x128xf32> to vector<1000x128xf32>
    %get3A_13 = arith.constant 0 : index
    %get3A_14 = arith.constant 0 : index
    %get3A_15 = vector.load %arg4[%get3A_13, %get3A_14] : memref<256x128xf32, #tpu.memory_space<vmem>>, vector<256x128xf32>
    %dot_general3A_16 = arith.constant dense<0.000000e+00> : vector<1000x256xf32>
    %dot_general3A_17 = tpu.matmul %get3A_12, %get3A_15, %dot_general3A_16 {dimension_numbers = #tpu.dot_dimension_numbers<[1], [1], [0], [0], [0, 0, 1, 0], [], []>, transpose_lhs_hint = false} : vector<1000x128xf32>, vector<256x128xf32>, vector<1000x256xf32> -> vector<1000x256xf32>
    %add3A = arith.addf %dot_general3A_7, %dot_general3A_17 : vector<1000x256xf32>
    %get3A_18 = arith.constant 0 : index
    %get3A_19 = arith.constant 0 : index
    %get3A_20 = vector.load %arg5[%get3A_18, %get3A_19] : memref<1x256xf32, #tpu.memory_space<vmem>>, vector<1x256xf32>
    %add3A_21 = vector.broadcast %get3A_20 : vector<1x256xf32> to vector<1000x256xf32>
    %add3A_22 = arith.addf %add3A, %add3A_21 : vector<1000x256xf32>
    %max3A = arith.constant 0.000000e+00 : f32
    %max3A_23 = vector.broadcast %max3A : f32 to vector<1000x256xf32>
    %max3A_24 = arith.maximumf %add3A_22, %max3A_23 : vector<1000x256xf32>
    %swap3A = arith.constant 0 : index
    %swap3A_25 = arith.constant 0 : index
    %swap3A_26 = vector.load %arg6[%swap3A, %swap3A_25] : memref<1000x256xf32, #tpu.memory_space<vmem>>, vector<1000x256xf32>
    tpu.vector_store %arg6[%swap3A, %swap3A_25], %max3A_24 {strides = array<i32>} : memref<1000x256xf32, #tpu.memory_space<vmem>>, vector<1000x256xf32>,
    return
  }
  func.func @transform_0(%arg0: i32) -> (i32, i32, i32) {
    %c0_i32 = arith.constant 0 : i32
    %c0_i32_0 = arith.constant 0 : i32
    %c0_i32_1 = arith.constant 0 : i32
    return %c0_i32, %arg0, %c0_i32_0 : i32, i32, i32
  }
  func.func @transform_1(%arg0: i32) -> (i32, i32, i32) {
    %c1_i32 = arith.constant 1 : i32
    %c0_i32 = arith.constant 0 : i32
    %c0_i32_0 = arith.constant 0 : i32
    return %c1_i32, %arg0, %c0_i32 : i32, i32, i32
  }
  func.func @transform_2(%arg0: i32) -> (i32, i32) {
    %c0_i32 = arith.constant 0 : i32
    %c0_i32_0 = arith.constant 0 : i32
    %c0_i32_1 = arith.constant 0 : i32
    return %c0_i32, %c0_i32_0 : i32, i32
  }
  func.func @transform_3(%arg0: i32) -> (i32, i32) {
    %c0_i32 = arith.constant 0 : i32
    %c0_i32_0 = arith.constant 0 : i32
    %c0_i32_1 = arith.constant 0 : i32
    return %c0_i32, %c0_i32_0 : i32, i32
  }
  func.func @transform_4(%arg0: i32) -> (i32, i32) {
    %c0_i32 = arith.constant 0 : i32
    %c0_i32_0 = arith.constant 0 : i32
    %c0_i32_1 = arith.constant 0 : i32
    return %c0_i32, %c0_i32_0 : i32, i32
  }
  func.func @transform_5(%arg0: i32) -> (i32, i32) {
    %c0_i32 = arith.constant 0 : i32
    %c0_i32_0 = arith.constant 0 : i32
    return %arg0, %c0_i32 : i32, i32
  }
}

</mosaic_0001>

<sc_bundles>
// kernel: kernel.4.cloned.1.call-start
scs
__scs_entry_jumppad:
0x0: {  	(pc) =	sbr.rel $0x88, $3  }
0x1: {  	(tag) =	ssettag $0x0;
	lr =	simm.s32 $0x1  }
0x2: {  	[smem:$0x3F9D] =	sst lr;
	_ =	strace $0xD0000000  }
0x3: {  	_ = 	snop  }
0x4: {  	_ = 	snop  }
0x5: {  	_ = 	snop  }
0x6: {  	_ = 	snop  }
0x7: {  	_ = 	snop  }
__scs_overlays_trampoline_lowered:
0x8: {  	[smem:$0x3FAC] =	sst s0  }
0x9: {  	[smem:$0x3FAD] =	sst s1  }
0xa: {  	[smem:$0x3FAE] =	sst s2  }
0xb: {  	[smem:$0x3FAF] =	sst s3  }
0xc: {  	[smem:$0x3FB0] =	sst s4  }
0xd: {  	[smem:$0x3FB1] =	sst s5  }
0xe: {  	[smem:$0x3FB2] =	sst s6  }
0xf: {  	[smem:$0x3FB3] =	sst s7  }
0x10: {  	[smem:$0x3FB4] =	sst s8  }
0x11: {  	[smem:$0x3FB5] =	sst s9;
	s0 =	simm.s32 @!p0 $0x0  }
0x12: {  	s1 =	sld [smem:$0x3F9B];
	s0 =	simm.s32 @p0 $0x1  }
0x13: {  	[smem:$0x3FB6] =	sst s0;
	s0 =	simm.s32 @!p1 $0x0  }
0x14: {  	s2 =	sld [smem:$0x3F9A];
	s0 =	simm.s32 @p1 $0x1  }
0x15: {  	[smem:$0x3FB7] =	sst s0;
	s0 =	simm.s32 @!p2 $0x0  }
0x16: {  	s3 =	sld [smem:$0x3FDB];
	s0 =	simm.s32 @p2 $0x1  }
0x17: {  	s4 =	simm.s32 $0x1BF5;
	[smem:$0x3FB9] =	sst s0  }
0x18: {  	s0 =	sld [smem:$0x3F9C];
	_ =	swait.ge [sflag:s4], $0x0  }
0x19: {  	s7 =	sld [smem:$0x3F9D]  }
0x1a: {  	s8 =	sadd.s32 $0xFFFFE003, lr  }
0x1b: {  	s9 =	sadd.s32 $0xFFFFFEF7, lr;
	s5 =	simm.s32 $0xFFFFFFFF;
	p2 =	slt.u32 s8, $0xFFFFF086  }
0x1c: {  	p1 =	slt.u32 s9, $0xF7A;
	s5 =	simm.s32 @!p2 $0x0  }
0x1d: {  	s5 =	simm.s32 @p1 $0x1;
	p0 =	seq.s32 s7, s2  }
0x1e: {  	s7 =	smul.u32 @!p0 $0xF7A, s2;
	p2 =	seq.s32 @!p0 s5, $0x0  }
0x1f: {  	s9 =	smul.u32 $0xF7A, s1;
	s8 =	simm.s32 @!p0 $0x1BF5;
	p2 =	por !p2, p0  }
0x20: {  	[sflag:s8] =	ssyncset.s32 @!p0 $0xFFFFF086;
	s6 =	sadd.s32 @!p0 s3, s7;
	s7 =	simm.s32 @!p0 $0x108  }
0x21: {  	s3 =	sadd.s32 s3, s9;
	s6 =	sadd.s32 @!p0 $0x88, s6;
	s7 =	simm.s32 @p2 $0x1082  }
0x22: {  	[simem:s7], [sflag:s8] =	dma.local @!p0 [hbm:s6], $0xF7A  }
0x23: {  	s9 =	sor.u32 $0xD0000000, s2;
	s6 =	simm.s32 $0x108;
	_ =	swait.ge @!p0 [sflag:s8], $0x0  }
0x24: {  	s3 =	sadd.s32 $0x88, s3;
	s6 =	simm.s32 @!p1 $0x1082;
	[sflag:s4] =	ssyncset.s32 $0xFFFFF086  }
0x25: {  	[simem:s6], [sflag:s4] =	dma.local [hbm:s3], $0xF7A  }
0x26: {  	[smem:$0x3F9D] =	sst s1;
	(tag) =	ssettag s2;
	_ =	strace s9  }
0x27: {  	s1 =	sld [smem:$0x3FAD]  }
0x28: {  	s2 =	sld [smem:$0x3FAE]  }
0x29: {  	s4 =	sld [smem:$0x3FB0]  }
0x2a: {  	p0 =	seq.s32 s5, $0x0;
	s5 =	sld [smem:$0x3FB1]  }
0x2b: {  	s6 =	sld [smem:$0x3FB2]  }
0x2c: {  	s7 =	sld [smem:$0x3FB3]  }
0x2d: {  	s3 =	simm.s32 $0x108;
	s8 =	sld [smem:$0x3FB4]  }
0x2e: {  	s3 =	simm.s32 @!p0 $0x1082;
	s9 =	sld [smem:$0x3FB5]  }
0x2f: {  	lr =	sadd.s32 s0, s3;
	s0 =	sld [smem:$0x3FAC]  }
0x30: {  	s3 =	sld [smem:$0x3FAF]  }
0x31: {  	[smem:$0x3FB8] =	sst s10  }
0x32: {  	s10 =	sld [smem:$0x3FB6];
	_ =	sdelay $0x3  }
0x33: {  	p0 =	seq.s32 s10, $0x1;
	s10 =	sld [smem:$0x3FB8];
	_ =	sdelay $0x3  }
0x34: {  	[smem:$0x3FB8] =	sst s10  }
0x35: {  	s10 =	sld [smem:$0x3FB7];
	_ =	sdelay $0x3  }
0x36: {  	p1 =	seq.s32 s10, $0x1;
	s10 =	sld [smem:$0x3FB8];
	_ =	sdelay $0x3  }
0x37: {  	[smem:$0x3FB8] =	sst s10  }
0x38: {  	s10 =	sld [smem:$0x3FB9]  }
0x39: {  	_ = 	snop;
	(pc) =	sbr.ind lr, $3  }
0x3a: {  	_ = 	snop  }
0x3b: {  	_ = 	snop  }
0x3c: {  	p2 =	seq.s32 s10, $0x1;
	s10 =	sld [smem:$0x3FB8]  }
0x3d: {  	_ =	shalt  }
0x3e: {  	_ =	shalt  }
0x3f: {  	_ =	shalt  }
0x40: {  	_ =	shalt  }
0x41: {  	_ =	shalt  }
0x42: {  	_ =	shalt  }
0x43: {  	_ =	shalt  }
0x44: {  	_ =	shalt  }
0x45: {  	_ =	shalt  }
0x46: {  	_ =	shalt  }
0x47: {  	_ =	shalt  }
0x48: {  	_ =	shalt  }
0x49: {  	_ =	shalt  }
0x4a: {  	_ =	shalt  }
0x4b: {  	_ =	shalt  }
0x4c: {  	_ =	shalt  }
0x4d: {  	_ =	shalt  }
0x4e: {  	_ =	shalt  }
0x4f: {  	_ =	shalt  }
0x50: {  	_ =	shalt  }
0x51: {  	_ =	shalt  }
0x52: {  	_ =	shalt  }
0x53: {  	_ =	shalt  }
0x54: {  	_ =	shalt  }
0x55: {  	_ =	shalt  }
0x56: {  	_ =	shalt  }
0x57: {  	_ =	shalt  }
0x58: {  	_ =	shalt  }
0x59: {  	_ =	shalt  }
0x5a: {  	_ =	shalt  }
0x5b: {  	_ =	shalt  }
0x5c: {  	_ =	shalt  }
0x5d: {  	_ =	shalt  }
0x5e: {  	_ =	shalt  }
0x5f: {  	_ =	shalt  }
0x60: {  	_ =	shalt  }
0x61: {  	_ =	shalt  }
0x62: {  	_ =	shalt  }
0x63: {  	_ =	shalt  }
0x64: {  	_ =	shalt  }
0x65: {  	_ =	shalt  }
0x66: {  	_ =	shalt  }
0x67: {  	_ =	shalt  }
0x68: {  	_ =	shalt  }
0x69: {  	_ =	shalt  }
0x6a: {  	_ =	shalt  }
0x6b: {  	_ =	shalt  }
0x6c: {  	_ =	shalt  }
0x6d: {  	_ =	shalt  }
0x6e: {  	_ =	shalt  }
0x6f: {  	_ =	shalt  }
0x70: {  	_ =	shalt  }
0x71: {  	_ =	shalt  }
0x72: {  	_ =	shalt  }
0x73: {  	_ =	shalt  }
0x74: {  	_ =	shalt  }
0x75: {  	_ =	shalt  }
0x76: {  	_ =	shalt  }
0x77: {  	_ =	shalt  }
0x78: {  	_ =	shalt  }
0x79: {  	_ =	shalt  }
0x7a: {  	_ =	shalt  }
0x7b: {  	_ =	shalt  }
0x7c: {  	_ =	shalt  }
0x7d: {  	_ =	shalt  }
0x7e: {  	_ =	shalt  }
0x7f: {  	_ =	shalt  }
0x80: {  	_ =	shalt  }
0x81: {  	_ =	shalt  }
0x82: {  	_ =	shalt  }
0x83: {  	_ =	shalt  }
0x84: {  	_ =	shalt  }
0x85: {  	_ =	shalt  }
0x86: {  	_ =	shalt  }
0x87: {  	_ =	shalt  }
.Lfunc_end0:
.L_simem_size_0:
called_computation_lowered:
.L_overlay_start_0:
0x88: {  	s2 =	sld [smem:$0x3FD9]  }
0x89: {  	s3 =	sld [smem:$0x3FFE];
	_ =	sdelay $0x1  }
0x8a: {  	s1 =	srdreg.scid  }
0x8b: {  	s0 =	sand.u32 $0x1, s1  }
0x8c: {  	s17 =	sshll.u32 s0, $0xA;
	s2 =	sadd.s32 s3, s2  }
0x8d: {  	s2 =	sadd.s32 s2, s17  }
0x8e: {  	[smem:$0x3FC4] =	sst s2  }
0x8f: {  	_ = 	snop  }
0x90: {  	s2 =	sld [smem:$0x3FD0];
	(tm) =	ssettm $0x1  }
0x91: {  	s18 =	sld [smem:$0x3FFB];
	_ =	sdelay $0x3  }
0x92: {  	_ =	strace s18  }
0x93: {  	s3 =	sld [smem:$0x3FFC];
	_ =	sdelay $0x3  }
0x94: {  	_ =	strace s3  }
0x95: {  	s3 =	sld [smem:$0x3FFD];
	_ =	sdelay $0x3  }
0x96: {  	_ =	strace s3  }
0x97: {  	_ =	strace $0x8FFFFFFF  }
0x98: {  	s19 =	sld [smem:$0x3FDB];
	_ =	sdelay $0x1  }
0x99: {  	s4 =	simm.s32 $_scs_section_size  }
0x9a: {  	s5 =	simm.s32 $_size__tile_overlayer_lowered;
	s6 =	simm.s32 $_tile_overlayer_lowered  }
0x9b: {  	s22 =	simm.s32 $0x1BFF;
	s21 =	sshll.u32 s6, $0x1;
	s3 =	sadd.s32 s4, s19  }
0x9c: {  	s7 =	simm.s32 $0x0;
	s20 =	sshll.u32 s5, $0x1;
	s5 =	sadd.s32 s21, s3  }
0x9d: {  	[timem:s7], [sflag:s22] =	dma.local [hbm:s5], s20  }
0x9e: {  	_ =	swait.ge [sflag:s22], s20  }
0x9f: {  	s4 =	ssub.s32 $0x0, s20;
	[sflag:s22] =	ssyncset.done $0x0  }
0xa0: {  	[sflag:s22] =	ssyncadd.s32 s4;
	_ =	sdelay $0x1  }
0xa1: {  	s23 =	simm.s32 $0x1B8B  }
0xa2: {  	_ =	swait.ge [sflag:s23], $0x1  }
0xa3: {  	[sflag:s23] =	ssyncset.done $0x0  }
0xa4: {  	s25 =	simm.s32 $0x1B8E;
	s24 =	sld [smem:$0x3FFE];
	[sflag:s23] =	ssyncadd.s32 $0xFFFFFFFF  }
0xa5: {  	s26 =	simm.s32 $execute0_lowered;
	[smem:$0x3FD2] =	sst s25  }
0xa6: {  	s5 =	sshll.u32 s26, $0x1;
	_ =	strace $0x80000046;
	[dreg:$0x1] =	wrdreg $0xFFFFFFFF  }
0xa7: {  	s28 =	simm.s32 $_size_execute0_lowered;
	s3 =	sadd.s32 s3, s5;
	[dreg:$0x0] =	wrdreg $0x0  }
0xa8: {  	s5 =	sshll.u32 s28, $0x1;
	[dreg:$0x2] =	wrdreg s3  }
0xa9: {  	[dreg:$0x3] =	wrdreg s5  }
0xaa: {  	[dreg:$0x4] =	wrdreg $0xC0  }
0xab: {  	_ =	task [dreg:s7], $0x5FFFF  }
0xac: {  	[dreg:$0x1] =	wrdreg $0xFFFFFFFF  }
0xad: {  	[dreg:$0x0] =	wrdreg $0x60  }
0xae: {  	[dreg:$0x2] =	wrdreg s2  }
0xaf: {  	[dreg:$0x3] =	wrdreg s24  }
0xb0: {  	[dreg:$0x4] =	wrdreg $0xAC000  }
0xb1: {  	[dreg:$0x5] =	wrdreg $0x9  }
0xb2: {  	_ =	task.clear_ibuf [dreg:s7], $0x6FFFF;
	_ =	strace $0x90000046  }
0xb3: {  	s29 =	simm.s32 $0x9;
	_ =	strace $0x80000048  }
0xb4: {  	_ =	swait.ge [sflag:s29], $0x1  }
0xb5: {  	[sflag:s29] =	ssyncadd.s32 $0xFFFFFFFF  }
0xb6: {  	_ =	strace $0x90000048  }
0xb7: {  	_ =	sfence  }
0xb8: {  	s30 =	sld [smem:$0x0];
	_ =	sdelay $0x2  }
0xb9: {  	s31 =	sshll.u32 s1, $0xD;
	s1 =	sshrl.u32 s1, $0x2  }
0xba: {  	s3 =	sand.u32 $0x4000, s31;
	s1 =	sadd.s32 s1, s30  }
0xbb: {  	s0 =	sor.u32 s3, s0;
	s1 =	sshll.u32 s1, $0x11  }
0xbc: {  	s0 =	sor.u32 s1, s0  }
0xbd: {  	s0 =	sadd.s32 $0x8F2B, s0  }
0xbe: {  	[sflag:s0] =	ssyncadd.remote.s32 $0x1  }
0xbf: {  	_ =	sfence.sel $0xFFFF  }
0xc0: {  	[dreg:$0x0] =	wrdreg $0xFFFFFFFF;
	(pc) =	sbr.abs _section_cstart, $3  }
0xc1: {  	[dreg:$0x1] =	wrdreg $0xFFFFFFFF  }
0xc2: {  	_ =	task.clear_ibuf [dreg:s7], $0x2FFFF;
	_ =	strace $0x9FFFFFFF  }
0xc3: {  	(tm) =	ssettm $0x7FFFFFFF  }
tec
execute0_lowered:
.L_overlay_start_1:
0x0: {  	(tag) =	ssettag $0x1  }
0x1: {  	s2 =	rddreg [dreg:$0x0]  }
0x2: {  	s0 =	srdreg.scid;
	s5 =	rddreg [dreg:$0x1]  }
0x3: {  	s24 =	stileid.u32;
	s3 =	rddreg [dreg:$0x2]  }
0x4: {  	s4 =	simm.s32 $0x0;
	s15 =	simm.s32 $0x80;
	s16 =	simm.s32 $0x2C00  }
0x5: {  	s17 =	simm.s32 $0x6C00;
	s18 =	simm.s32 $0x2800;
	s1 =	smul.u32 $0x2800, s24  }
0x6: {  	s28 =	simm.s32 $0x2A80;
	s29 =	simm.s32 $0x2B00;
	s8 =	smul.u32 $0x4F000, s24  }
0x7: {  	s30 =	simm.s32 $0x2B80;
	s31 =	simm.s32 $0x0;
	s11 =	smul.u32 $0x13800, s24  }
0x8: {  	s0 =	sand.u32 $0x1, s0;
	[smem:$0x7FF] =	sst s4;
	s23 =	smul.u32 $0x4E000, s24  }
0x9: {  	s12 =	sadd.s32 $0xA600, s5;
	s19 =	sadd.s32 $0xF600, s5;
	s26 =	smul.u32 $0x500, s24  }
0xa: {  	s10 =	sshll.u32 s24, $0x6;
	p0 =	sne.s32 s24, $0xF;
	s6 =	smul.u32 $0x28000, s0  }
0xb: {  	_ =	strace $0x80000047;
	[dreg:$0x4] =	wrdreg s19;
	s20 =	ssub.s32 $0x2, s0  }
0xc: {  	s0 =	smul.u32 $0x138800, s0;
	s19 =	simm.s32 $0x1;
	s9 =	sshrl.u32 s20, $0x1  }
0xd: {  	s8 =	sshrl.u32 s8, $0x2;
	s25 =	sshrl.u32 s23, $0x2;
	s23 =	simm.s32 $0x2980  }
0xe: {  	s6 =	sadd.s32 s1, s6;
	s13 =	ssub.s32 s20, s9;
	s14 =	sadd.s32 s8, s3  }
0xf: {  	s1 =	sshrl.u32 s1, $0x3;
	s21 =	sadd.s32 s11, s0;
	s0 =	sshrl.u32 s0, $0x3  }
0x10: {  	s20 =	simm.s32 $0x2;
	s6 =	sshrl.u32 s6, $0x3;
	s1 =	sadd.s32 s12, s1  }
0x11: {  	s22 =	sshrl.u32 s21, $0x3;
	s11 =	smax.u32 s13, $0x1;
	s12 =	sadd.s32 s26, s12  }
0x12: {  	s13 =	sshrl.u32 s14, $0x3;
	s14 =	simm.s32 $0x3;
	s21 =	simm.s32 $0x2880  }
0x13: {  	s26 =	simm.s32 $0x2A00;
	s7 =	sadd.s32 s6, s5;
	s5 =	sadd.s32 $0x11E00, s5  }
0x14: {  	s6 =	sor.u32 $0x1C03, s10;
	s8 =	sadd.s32 $0x480, s1;
	s1 =	sadd.s32 s25, s3  }
0x15: {  	s7 =	sadd.s32 $0x600, s7;
	s9 =	sadd.s32 s5, s22;
	s0 =	sadd.s32 s5, s0  }
0x16: {  	s22 =	simm.s32 $0x2900;
	s10 =	sadd.s32 $0x27000, s0;
	s0 =	sadd.s32 $0x138000, s3  }
0x17: {  	s24 =	sshrl.u32 s1, $0x3;
	[dreg:$0x5] =	wrdreg s7;
	s25 =	sshrl.u32 @!p0 s0, $0x3  }
.LBB2_1:
0x18: {  	s0 =	rddreg [dreg:$0x4]  }
0x19: {  	[spmem:s13], [sflag:s6] =	dma.local [hbm:s0], $0x2780  }
0x1a: {  	_ =	swait.ge [sflag:s14], $0x2780  }
0x1b: {  	[sflag:s14] =	ssyncset.done $0x0  }
0x1c: {  	s5 =	rddreg [dreg:$0x5];
	[sflag:s14] =	ssyncadd.s32 $0xFFFFD880  }
0x1d: {  	[tilespmem:s4], [sflag:$0x3] =	stream.linear.gather [hbm4b:s5+s4], $0x2800, $0x38;
	[tilespmem:$0x1E800] =	vst v63  }
0x1e: {  	_ =	swait.ge [sflag:s14], $0x2800  }
0x1f: {  	[sflag:s14] =	ssyncset.done $0x0  }
0x20: {  	[sflag:s14] =	ssyncadd.s32 $0xFFFFD800  }
0x21: {  	[bflag:$0x0] =	sbarrier.arrive $0xFFFF  }
0x22: {  	[tilespmem:s16], [sflag:$0x1] =	stream.indirect.gather [hbm4b:s2+s15], $0x80, s4, s15, $0xb8;
	[tilespmem:$0x1E800] =	vst v63  }
0x23: {  	_ = 	snop  }
0x24: {  	[tilespmem:s17], [sflag:$0x2] =	stream.indirect.gather [hbm4b:s2+s15], $0x80, s15, s15, $0xb8;
	[tilespmem:$0x1E800] =	vst v63  }
0x25: {  	_ = 	snop  }
0x26: {  	[tilespmem:s18], [sflag:$0x3] =	stream.linear.gather [hbm4b:s12+s4], $0x400, $0x38;
	[tilespmem:$0x1E800] =	vst v63  }
0x27: {  	_ =	swait.ge [sflag:s14], $0x400  }
0x28: {  	[sflag:s14] =	ssyncset.done $0x0  }
0x29: {  	[sflag:s14] =	ssyncadd.s32 $0xFFFFFC00  }
0x2a: {  	_ =	swait.ge [sflag:s19], $0x4000  }
0x2b: {  	[sflag:s19] =	ssyncset.done $0x0  }
0x2c: {  	[sflag:s19] =	ssyncadd.s32 $0xFFFFC000  }
0x2d: {  	[spmem:s3] =	stream.indirect.scatter.add.f32 [tilespmem:s16], [sflag:$0x3], $0x80, s18, s15, $0xb8;
	[tilespmem:$0x1E800] =	vst v63  }
0x2e: {  	_ =	swait.ge [sflag:s14], $0x4000  }
0x2f: {  	[sflag:s14] =	ssyncset.done $0x0  }
0x30: {  	s7 =	simm.s32 $0x100;
	[sflag:s14] =	ssyncadd.s32 $0xFFFFC000  }
0x31: {  	[tilespmem:s16], [sflag:$0x1] =	stream.indirect.gather [hbm4b:s2+s15], $0x80, s7, s15, $0xb8;
	[tilespmem:$0x1E800] =	vst v63  }
0x32: {  	_ =	swait.ge [sflag:s20], $0x4000  }
0x33: {  	[sflag:s20] =	ssyncset.done $0x0  }
0x34: {  	[sflag:s20] =	ssyncadd.s32 $0xFFFFC000  }
0x35: {  	[spmem:s3] =	stream.indirect.scatter.add.f32 [tilespmem:s17], [sflag:$0x3], $0x80, s21, s15, $0xb8;
	[tilespmem:$0x1E800] =	vst v63  }
0x36: {  	_ =	swait.ge [sflag:s14], $0x4000  }
0x37: {  	[sflag:s14] =	ssyncset.done $0x0  }
0x38: {  	s1 =	simm.s32 $0x180;
	[sflag:s14] =	ssyncadd.s32 $0xFFFFC000  }
0x39: {  	[tilespmem:s17], [sflag:$0x2] =	stream.indirect.gather [hbm4b:s2+s15], $0x80, s1, s15, $0xb8;
	[tilespmem:$0x1E800] =	vst v63  }
0x3a: {  	_ =	swait.ge [sflag:s19], $0x4000  }
0x3b: {  	[sflag:s19] =	ssyncset.done $0x0  }
0x3c: {  	[sflag:s19] =	ssyncadd.s32 $0xFFFFC000  }
0x3d: {  	[spmem:s3] =	stream.indirect.scatter.add.f32 [tilespmem:s16], [sflag:$0x3], $0x80, s22, s15, $0xb8;
	[tilespmem:$0x1E800] =	vst v63  }
0x3e: {  	_ =	swait.ge [sflag:s14], $0x4000  }
0x3f: {  	[sflag:s14] =	ssyncset.done $0x0  }
0x40: {  	s5 =	simm.s32 $0x200;
	[sflag:s14] =	ssyncadd.s32 $0xFFFFC000  }
0x41: {  	[tilespmem:s16], [sflag:$0x1] =	stream.indirect.gather [hbm4b:s2+s15], $0x80, s5, s15, $0xb8;
	[tilespmem:$0x1E800] =	vst v63  }
0x42: {  	_ =	swait.ge [sflag:s20], $0x4000  }
0x43: {  	[sflag:s20] =	ssyncset.done $0x0  }
0x44: {  	[sflag:s20] =	ssyncadd.s32 $0xFFFFC000  }
0x45: {  	[spmem:s3] =	stream.indirect.scatter.add.f32 [tilespmem:s17], [sflag:$0x3], $0x80, s23, s15, $0xb8;
	[tilespmem:$0x1E800] =	vst v63  }
0x46: {  	_ =	swait.ge [sflag:s14], $0x4000  }
0x47: {  	[sflag:s14] =	ssyncset.done $0x0  }
0x48: {  	s7 =	simm.s32 $0x280;
	[sflag:s14] =	ssyncadd.s32 $0xFFFFC000  }
0x49: {  	[tilespmem:s17], [sflag:$0x2] =	stream.indirect.gather [hbm4b:s2+s15], $0x80, s7, s15, $0xb8;
	[tilespmem:$0x1E800] =	vst v63  }
0x4a: {  	_ =	swait.ge [sflag:s19], $0x4000  }
0x4b: {  	[sflag:s19] =	ssyncset.done $0x0  }
0x4c: {  	[sflag:s19] =	ssyncadd.s32 $0xFFFFC000  }
0x4d: {  	[spmem:s3] =	stream.indirect.scatter.add.f32 [tilespmem:s16], [sflag:$0x3], $0x80, s26, s15, $0xb8;
	[tilespmem:$0x1E800] =	vst v63  }
0x4e: {  	_ =	swait.ge [sflag:s14], $0x4000  }
0x4f: {  	[sflag:s14] =	ssyncset.done $0x0  }
0x50: {  	s1 =	simm.s32 $0x300;
	[sflag:s14] =	ssyncadd.s32 $0xFFFFC000  }
0x51: {  	[tilespmem:s16], [sflag:$0x1] =	stream.indirect.gather [hbm4b:s2+s15], $0x80, s1, s15, $0xb8;
	[tilespmem:$0x1E800] =	vst v63  }
0x52: {  	_ =	swait.ge [sflag:s20], $0x4000  }
0x53: {  	[sflag:s20] =	ssyncset.done $0x0  }
0x54: {  	[sflag:s20] =	ssyncadd.s32 $0xFFFFC000  }
0x55: {  	[spmem:s3] =	stream.indirect.scatter.add.f32 [tilespmem:s17], [sflag:$0x3], $0x80, s28, s15, $0xb8;
	[tilespmem:$0x1E800] =	vst v63  }
0x56: {  	_ =	swait.ge [sflag:s14], $0x4000  }
0x57: {  	[sflag:s14] =	ssyncset.done $0x0  }
0x58: {  	s5 =	simm.s32 $0x380;
	[sflag:s14] =	ssyncadd.s32 $0xFFFFC000  }
0x59: {  	[tilespmem:s17], [sflag:$0x2] =	stream.indirect.gather [hbm4b:s2+s15], $0x80, s5, s15, $0xb8;
	[tilespmem:$0x1E800] =	vst v63  }
0x5a: {  	_ =	swait.ge [sflag:s19], $0x4000  }
0x5b: {  	[sflag:s19] =	ssyncset.done $0x0  }
0x5c: {  	[sflag:s19] =	ssyncadd.s32 $0xFFFFC000  }
0x5d: {  	[spmem:s3] =	stream.indirect.scatter.add.f32 [tilespmem:s16], [sflag:$0x3], $0x80, s29, s15, $0xb8;
	[tilespmem:$0x1E800] =	vst v63  }
0x5e: {  	_ =	swait.ge [sflag:s14], $0x4000  }
0x5f: {  	[sflag:s14] =	ssyncset.done $0x0  }
0x60: {  	s7 =	simm.s32 $0x400;
	[sflag:s14] =	ssyncadd.s32 $0xFFFFC000  }
0x61: {  	[tilespmem:s16], [sflag:$0x1] =	stream.indirect.gather [hbm4b:s2+s15], $0x80, s7, s15, $0xb8;
	[tilespmem:$0x1E800] =	vst v63  }
0x62: {  	_ =	swait.ge [sflag:s20], $0x4000  }
0x63: {  	[sflag:s20] =	ssyncset.done $0x0  }
0x64: {  	[sflag:s20] =	ssyncadd.s32 $0xFFFFC000  }
0x65: {  	[spmem:s3] =	stream.indirect.scatter.add.f32 [tilespmem:s17], [sflag:$0x3], $0x80, s30, s15, $0xb8;
	[tilespmem:$0x1E800] =	vst v63  }
0x66: {  	_ =	swait.ge [sflag:s14], $0x4000  }
0x67: {  	s0 =	sadd.s32 $0x80, s12;
	[sflag:s14] =	ssyncset.done $0x0  }
0x68: {  	s1 =	simm.s32 $0x1000;
	s5 =	simm.s32 $0x480;
	[sflag:s14] =	ssyncadd.s32 $0xFFFFC000  }
.LBB2_2:
0x69: {  	[tilespmem:s17], [sflag:$0x2] =	stream.indirect.gather [hbm4b:s2+s15], $0x80, s5, s15, $0xb8;
	[tilespmem:$0x1E800] =	vst v63  }
0x6a: {  	p1 =	sne.s32 s1, $0x8000;
	s5 =	smov.u32 s1;
	s1 =	sadd.s32 $0x1000, s1  }
0x6b: {  	[tilespmem:s18], [sflag:$0x3] =	stream.linear.gather [hbm4b:s0+s4], $0x400, $0x38;
	[tilespmem:$0x1E800] =	vst v63  }
0x6c: {  	_ =	swait.ge [sflag:s14], $0x400  }
0x6d: {  	[sflag:s14] =	ssyncset.done $0x0  }
0x6e: {  	[sflag:s14] =	ssyncadd.s32 $0xFFFFFC00  }
0x6f: {  	_ =	swait.ge [sflag:s19], $0x4000  }
0x70: {  	[sflag:s19] =	ssyncset.done $0x0  }
0x71: {  	[sflag:s19] =	ssyncadd.s32 $0xFFFFC000  }
0x72: {  	[spmem:s3] =	stream.indirect.scatter.add.f32 [tilespmem:s16], [sflag:$0x3], $0x80, s18, s15, $0xb8;
	[tilespmem:$0x1E800] =	vst v63  }
0x73: {  	_ =	swait.ge [sflag:s14], $0x4000  }
0x74: {  	s5 =	sshra.s32 s5, $0x2;
	[sflag:s14] =	ssyncset.done $0x0  }
0x75: {  	s7 =	sadd.s32 $0x100, s5;
	[sflag:s14] =	ssyncadd.s32 $0xFFFFC000  }
0x76: {  	[tilespmem:s16], [sflag:$0x1] =	stream.indirect.gather [hbm4b:s2+s15], $0x80, s7, s15, $0xb8;
	[tilespmem:$0x1E800] =	vst v63  }
0x77: {  	_ =	swait.ge [sflag:s20], $0x4000  }
0x78: {  	[sflag:s20] =	ssyncset.done $0x0  }
0x79: {  	[sflag:s20] =	ssyncadd.s32 $0xFFFFC000  }
0x7a: {  	[spmem:s3] =	stream.indirect.scatter.add.f32 [tilespmem:s17], [sflag:$0x3], $0x80, s21, s15, $0xb8;
	[tilespmem:$0x1E800] =	vst v63  }
0x7b: {  	_ =	swait.ge [sflag:s14], $0x4000  }
0x7c: {  	[sflag:s14] =	ssyncset.done $0x0  }
0x7d: {  	s7 =	sadd.s32 $0x180, s5;
	[sflag:s14] =	ssyncadd.s32 $0xFFFFC000  }
0x7e: {  	[tilespmem:s17], [sflag:$0x2] =	stream.indirect.gather [hbm4b:s2+s15], $0x80, s7, s15, $0xb8;
	[tilespmem:$0x1E800] =	vst v63  }
0x7f: {  	_ =	swait.ge [sflag:s19], $0x4000  }
0x80: {  	[sflag:s19] =	ssyncset.done $0x0  }
0x81: {  	[sflag:s19] =	ssyncadd.s32 $0xFFFFC000  }
0x82: {  	[spmem:s3] =	stream.indirect.scatter.add.f32 [tilespmem:s16], [sflag:$0x3], $0x80, s22, s15, $0xb8;
	[tilespmem:$0x1E800] =	vst v63  }
0x83: {  	_ =	swait.ge [sflag:s14], $0x4000  }
0x84: {  	[sflag:s14] =	ssyncset.done $0x0  }
0x85: {  	s7 =	sadd.s32 $0x200, s5;
	[sflag:s14] =	ssyncadd.s32 $0xFFFFC000  }
0x86: {  	[tilespmem:s16], [sflag:$0x1] =	stream.indirect.gather [hbm4b:s2+s15], $0x80, s7, s15, $0xb8;
	[tilespmem:$0x1E800] =	vst v63  }
0x87: {  	_ =	swait.ge [sflag:s20], $0x4000  }
0x88: {  	[sflag:s20] =	ssyncset.done $0x0  }
0x89: {  	[sflag:s20] =	ssyncadd.s32 $0xFFFFC000  }
0x8a: {  	[spmem:s3] =	stream.indirect.scatter.add.f32 [tilespmem:s17], [sflag:$0x3], $0x80, s23, s15, $0xb8;
	[tilespmem:$0x1E800] =	vst v63  }
0x8b: {  	_ =	swait.ge [sflag:s14], $0x4000  }
0x8c: {  	[sflag:s14] =	ssyncset.done $0x0  }
0x8d: {  	s7 =	sadd.s32 $0x280, s5;
	[sflag:s14] =	ssyncadd.s32 $0xFFFFC000  }
0x8e: {  	[tilespmem:s17], [sflag:$0x2] =	stream.indirect.gather [hbm4b:s2+s15], $0x80, s7, s15, $0xb8;
	[tilespmem:$0x1E800] =	vst v63  }
0x8f: {  	_ =	swait.ge [sflag:s19], $0x4000  }
0x90: {  	[sflag:s19] =	ssyncset.done $0x0  }
0x91: {  	[sflag:s19] =	ssyncadd.s32 $0xFFFFC000  }
0x92: {  	[spmem:s3] =	stream.indirect.scatter.add.f32 [tilespmem:s16], [sflag:$0x3], $0x80, s26, s15, $0xb8;
	[tilespmem:$0x1E800] =	vst v63  }
0x93: {  	_ =	swait.ge [sflag:s14], $0x4000  }
0x94: {  	[sflag:s14] =	ssyncset.done $0x0  }
0x95: {  	s7 =	sadd.s32 $0x300, s5;
	[sflag:s14] =	ssyncadd.s32 $0xFFFFC000  }
0x96: {  	[tilespmem:s16], [sflag:$0x1] =	stream.indirect.gather [hbm4b:s2+s15], $0x80, s7, s15, $0xb8;
	[tilespmem:$0x1E800] =	vst v63  }
0x97: {  	_ =	swait.ge [sflag:s20], $0x4000  }
0x98: {  	[sflag:s20] =	ssyncset.done $0x0  }
0x99: {  	[sflag:s20] =	ssyncadd.s32 $0xFFFFC000  }
0x9a: {  	[spmem:s3] =	stream.indirect.scatter.add.f32 [tilespmem:s17], [sflag:$0x3], $0x80, s28, s15, $0xb8;
	[tilespmem:$0x1E800] =	vst v63  }
0x9b: {  	_ =	swait.ge [sflag:s14], $0x4000  }
0x9c: {  	[sflag:s14] =	ssyncset.done $0x0  }
0x9d: {  	s7 =	sadd.s32 $0x380, s5;
	[sflag:s14] =	ssyncadd.s32 $0xFFFFC000  }
0x9e: {  	[tilespmem:s17], [sflag:$0x2] =	stream.indirect.gather [hbm4b:s2+s15], $0x80, s7, s15, $0xb8;
	[tilespmem:$0x1E800] =	vst v63  }
0x9f: {  	_ =	swait.ge [sflag:s19], $0x4000  }
0xa0: {  	[sflag:s19] =	ssyncset.done $0x0  }
0xa1: {  	[sflag:s19] =	ssyncadd.s32 $0xFFFFC000  }
0xa2: {  	[spmem:s3] =	stream.indirect.scatter.add.f32 [tilespmem:s16], [sflag:$0x3], $0x80, s29, s15, $0xb8;
	[tilespmem:$0x1E800] =	vst v63  }
0xa3: {  	_ =	swait.ge [sflag:s14], $0x4000  }
0xa4: {  	[sflag:s14] =	ssyncset.done $0x0  }
0xa5: {  	s7 =	sadd.s32 $0x400, s5;
	[sflag:s14] =	ssyncadd.s32 $0xFFFFC000  }
0xa6: {  	[tilespmem:s16], [sflag:$0x1] =	stream.indirect.gather [hbm4b:s2+s15], $0x80, s7, s15, $0xb8;
	[tilespmem:$0x1E800] =	vst v63  }
0xa7: {  	_ =	swait.ge [sflag:s20], $0x4000  }
0xa8: {  	[sflag:s20] =	ssyncset.done $0x0  }
.Ltmp0:
0xa9: {  	[sflag:s20] =	ssyncadd.s32 $0xFFFFC000;
	(pc) =	sbr.rel @p1 .LBB2_2-.Ltmp0, $4  }
0xaa: {  	[spmem:s3] =	stream.indirect.scatter.add.f32 [tilespmem:s17], [sflag:$0x3], $0x80, s30, s15, $0xb8;
	[tilespmem:$0x1E800] =	vst v63  }
0xab: {  	_ =	swait.ge [sflag:s14], $0x4000  }
0xac: {  	[sflag:s14] =	ssyncset.done $0x0  }
0xad: {  	s0 =	sadd.s32 $0x80, s0;
	s5 =	sadd.s32 $0x480, s5;
	[sflag:s14] =	ssyncadd.s32 $0xFFFFC000  }
0xae: {  	[tilespmem:s17], [sflag:$0x2] =	stream.indirect.gather [hbm4b:s2+s15], $0x80, s5, s15, $0xb8;
	[tilespmem:$0x1E800] =	vst v63  }
0xaf: {  	_ = 	snop  }
0xb0: {  	[tilespmem:s18], [sflag:$0x3] =	stream.linear.gather [hbm4b:s8+s4], $0x400, $0x38;
	[tilespmem:$0x1E800] =	vst v63  }
0xb1: {  	_ =	swait.ge [sflag:s14], $0x400  }
0xb2: {  	[sflag:s14] =	ssyncset.done $0x0  }
0xb3: {  	[sflag:s14] =	ssyncadd.s32 $0xFFFFFC00  }
0xb4: {  	_ =	swait.ge [sflag:s19], $0x4000  }
0xb5: {  	[sflag:s19] =	ssyncset.done $0x0  }
0xb6: {  	[sflag:s19] =	ssyncadd.s32 $0xFFFFC000  }
0xb7: {  	[spmem:s3] =	stream.indirect.scatter.add.f32 [tilespmem:s16], [sflag:$0x3], $0x80, s18, s15, $0xb8;
	[tilespmem:$0x1E800] =	vst v63  }
0xb8: {  	_ =	swait.ge [sflag:s14], $0x4000  }
0xb9: {  	[sflag:s14] =	ssyncset.done $0x0  }
0xba: {  	s0 =	simm.s32 $0x2500;
	[sflag:s14] =	ssyncadd.s32 $0xFFFFC000  }
0xbb: {  	[tilespmem:s16], [sflag:$0x1] =	stream.indirect.gather [hbm4b:s2+s15], $0x80, s0, s15, $0xb8;
	[tilespmem:$0x1E800] =	vst v63  }
0xbc: {  	_ =	swait.ge [sflag:s20], $0x4000  }
0xbd: {  	[sflag:s20] =	ssyncset.done $0x0  }
0xbe: {  	[sflag:s20] =	ssyncadd.s32 $0xFFFFC000  }
0xbf: {  	[spmem:s3] =	stream.indirect.scatter.add.f32 [tilespmem:s17], [sflag:$0x3], $0x80, s21, s15, $0xb8;
	[tilespmem:$0x1E800] =	vst v63  }
0xc0: {  	_ =	swait.ge [sflag:s14], $0x4000  }
0xc1: {  	[sflag:s14] =	ssyncset.done $0x0  }
0xc2: {  	s5 =	simm.s32 $0x2580;
	[sflag:s14] =	ssyncadd.s32 $0xFFFFC000  }
0xc3: {  	[tilespmem:s17], [sflag:$0x2] =	stream.indirect.gather [hbm4b:s2+s15], $0x80, s5, s15, $0xb8;
	[tilespmem:$0x1E800] =	vst v63  }
0xc4: {  	_ =	swait.ge [sflag:s19], $0x4000  }
0xc5: {  	[sflag:s19] =	ssyncset.done $0x0  }
0xc6: {  	[sflag:s19] =	ssyncadd.s32 $0xFFFFC000  }
0xc7: {  	[spmem:s3] =	stream.indirect.scatter.add.f32 [tilespmem:s16], [sflag:$0x3], $0x80, s22, s15, $0xb8;
	[tilespmem:$0x1E800] =	vst v63  }
0xc8: {  	_ =	swait.ge [sflag:s14], $0x4000  }
0xc9: {  	[sflag:s14] =	ssyncset.done $0x0  }
0xca: {  	s7 =	simm.s32 $0x2600;
	[sflag:s14] =	ssyncadd.s32 $0xFFFFC000  }
0xcb: {  	[tilespmem:s16], [sflag:$0x1] =	stream.indirect.gather [hbm4b:s2+s15], $0x80, s7, s15, $0xb8;
	[tilespmem:$0x1E800] =	vst v63  }
0xcc: {  	_ =	swait.ge [sflag:s20], $0x4000  }
0xcd: {  	[sflag:s20] =	ssyncset.done $0x0  }
0xce: {  	[sflag:s20] =	ssyncadd.s32 $0xFFFFC000  }
0xcf: {  	[spmem:s3] =	stream.indirect.scatter.add.f32 [tilespmem:s17], [sflag:$0x3], $0x80, s23, s15, $0xb8;
	[tilespmem:$0x1E800] =	vst v63  }
0xd0: {  	_ =	swait.ge [sflag:s14], $0x4000  }
0xd1: {  	[sflag:s14] =	ssyncset.done $0x0  }
0xd2: {  	s1 =	simm.s32 $0x2680;
	[sflag:s14] =	ssyncadd.s32 $0xFFFFC000  }
0xd3: {  	[tilespmem:s17], [sflag:$0x2] =	stream.indirect.gather [hbm4b:s2+s15], $0x80, s1, s15, $0xb8;
	[tilespmem:$0x1E800] =	vst v63  }
0xd4: {  	_ =	swait.ge [sflag:s19], $0x4000  }
0xd5: {  	[sflag:s19] =	ssyncset.done $0x0  }
0xd6: {  	[sflag:s19] =	ssyncadd.s32 $0xFFFFC000  }
0xd7: {  	[spmem:s3] =	stream.indirect.scatter.add.f32 [tilespmem:s16], [sflag:$0x3], $0x80, s26, s15, $0xb8;
	[tilespmem:$0x1E800] =	vst v63  }
0xd8: {  	_ =	swait.ge [sflag:s14], $0x4000  }
0xd9: {  	[sflag:s14] =	ssyncset.done $0x0  }
0xda: {  	s5 =	simm.s32 $0x2700;
	[sflag:s14] =	ssyncadd.s32 $0xFFFFC000  }
0xdb: {  	[tilespmem:s16], [sflag:$0x1] =	stream.indirect.gather [hbm4b:s2+s15], $0x80, s5, s15, $0xb8;
	[tilespmem:$0x1E800] =	vst v63  }
0xdc: {  	_ =	swait.ge [sflag:s20], $0x4000  }
0xdd: {  	[sflag:s20] =	ssyncset.done $0x0  }
0xde: {  	[sflag:s20] =	ssyncadd.s32 $0xFFFFC000  }
0xdf: {  	[spmem:s3] =	stream.indirect.scatter.add.f32 [tilespmem:s17], [sflag:$0x3], $0x80, s28, s15, $0xb8;
	[tilespmem:$0x1E800] =	vst v63  }
0xe0: {  	_ =	swait.ge [sflag:s14], $0x4000  }
0xe1: {  	[sflag:s14] =	ssyncset.done $0x0  }
0xe2: {  	s7 =	simm.s32 $0x2780;
	[sflag:s14] =	ssyncadd.s32 $0xFFFFC000  }
0xe3: {  	[tilespmem:s17], [sflag:$0x2] =	stream.indirect.gather [hbm4b:s2+s15], $0x80, s7, s15, $0xb8;
	[tilespmem:$0x1E800] =	vst v63  }
0xe4: {  	_ =	swait.ge [sflag:s19], $0x4000  }
0xe5: {  	[sflag:s19] =	ssyncset.done $0x0  }
0xe6: {  	[sflag:s19] =	ssyncadd.s32 $0xFFFFC000  }
0xe7: {  	[spmem:s3] =	stream.indirect.scatter.add.f32 [tilespmem:s16], [sflag:$0x3], $0x80, s29, s15, $0xb8;
	[tilespmem:$0x1E800] =	vst v63  }
0xe8: {  	_ =	swait.ge [sflag:s14], $0x4000  }
0xe9: {  	[sflag:s14] =	ssyncset.done $0x0  }
0xea: {  	[sflag:s14] =	ssyncadd.s32 $0xFFFFC000  }
0xeb: {  	_ =	swait.ge [sflag:s20], $0x4000  }
0xec: {  	[sflag:s20] =	ssyncset.done $0x0  }
0xed: {  	[sflag:s20] =	ssyncadd.s32 $0xFFFFC000  }
0xee: {  	[spmem:s3] =	stream.indirect.scatter.add.f32 [tilespmem:s17], [sflag:$0x3], $0x80, s30, s15, $0xb8;
	[tilespmem:$0x1E800] =	vst v63  }
0xef: {  	_ =	swait.ge [sflag:s14], $0x4000  }
0xf0: {  	[sflag:s14] =	ssyncset.done $0x0  }
0xf1: {  	[sflag:s14] =	ssyncadd.s32 $0xFFFFC000  }
0xf2: {  	[bflag:$0x0] =	sbarrier.arrive $0xFFFF  }
0xf3: {  	[hbm:s9], [sflag:s6] =	dma.local [spmem:s24], $0x2700  }
0xf4: {  	s31 =	sadd.s32 $0x1, s31;
	_ =	swait.ge [sflag:s14], $0x2700  }
0xf5: {  	p1 =	sne.s32 s31, s11;
	[sflag:s14] =	ssyncset.done $0x0  }
.Ltmp1:
0xf6: {  	s0 =	simm.s32 @!p0 $0x3;
	[sflag:s14] =	ssyncadd.s32 $0xFFFFD900;
	(pc) =	sbr.rel @p1 .LBB2_1-.Ltmp1, $4  }
0xf7: {  	[hbm:s10], [sflag:s6] =	dma.local @!p0 [spmem:s25], $0x100  }
0xf8: {  	_ =	swait.ge @!p0 [sflag:s0], $0x100  }
0xf9: {  	[sflag:s0] =	ssyncset.done @!p0 $0x0  }
0xfa: {  	[sflag:s0] =	ssyncadd.s32 @!p0 $0xFFFFFF00  }
0xfb: {  	_ =	sfence.sel $0x180000  }
0xfc: {  	[bflag:$0x0] =	sbarrier.arrive $0xFFFF  }
0xfd: {  	_ =	strace $0x90000047  }
0xfe: {  	s0 =	stileid.u32;
	[bflag:$0x2] =	sbarrier.arrive $0xFFFF  }
0xff: {  	p0 =	sne.s32 s0, $0x0;
	s0 =	rddreg [dreg:$0x3]  }
0x100: {  	s0 =	sadd.s32 @!p0 $0x100000, s0  }
0x101: {  	[sflag:s0] =	ssyncadd.tile.s32 @!p0 $0x1;
	_ =	shalt  }
.Lfunc_end2:
_tile_overlayer_lowered:
.L_overlay_start_2:
0x102: {  	(tag) =	ssettag $0x2  }
0x103: {  	s0 =	rddreg [dreg:$0x0];
	s2 =	stileid.u32  }
0x104: {  	s1 =	rddreg [dreg:$0x1];
	p0 =	sne.s32 s2, $0x0  }
0x105: {  	s3 =	rddreg [dreg:$0x2];
	[bflag:$0x3] =	sbarrier.arrive $0xFFFF;
	s2 =	simm.s32 @!p0 $0x1C03  }
0x106: {  	[timem:s3], [sflag:s2] =	dma.local @!p0 [hbm:s0], s1  }
0x107: {  	s0 =	simm.s32 @!p0 $0x3  }
0x108: {  	_ =	swait.ge @!p0 [sflag:s0], s1  }
0x109: {  	s1 =	ssub.s32 @!p0 $0x0, s1;
	[sflag:s0] =	ssyncset.done @!p0 $0x0  }
0x10a: {  	[sflag:s0] =	ssyncadd.s32 @!p0 s1  }
0x10b: {  	[bflag:$0x3] =	sbarrier.arrive $0xFFFF  }
0x10c: {  	_ =	shalt  }

</sc_bundles>
